<compile_context>
chip_gen: v7x
topology: tpu7x:2x2x1
jax: 0.10.2.dev20260603
libtpu: 0.0.44.dev20260713+nightly
codegen_flags: <defaults>
</compile_context>

<pallas_src>
import functools

import jax
import jax.numpy as jnp
from jax import lax
from jax.experimental import pallas as pl
from jax.experimental.pallas import tpu as pltpu
from jax.experimental.pallas import tpu_sc as plsc

N = 10000
K = 32
C = 128
H = 128

NC = 2
NS = 16
L = 16
NW = NC * NS
NP = 320
NPAD = NW * NP
G = 2
NB = NP // G


def _leaky(x):
    return jnp.where(x >= 0, x, 0.3 * x)


def _tc_pre_body(e_ref, qk_ref, qb_ref, wk1_ref, wb_ref, hid_ref, part_ref):
    e = e_ref[...]
    hid_ref[...] = _leaky(
        jnp.dot(e, qk_ref[...], preferred_element_type=jnp.float32) + qb_ref[...]
    )
    part_ref[...] = (
        jnp.dot(e, wk1_ref[...], preferred_element_type=jnp.float32) + wb_ref[...]
    )


def _tc_pre(e, qk, qb, wk1, wb):
    blk = 1000
    grid = N // blk
    return pl.pallas_call(
        _tc_pre_body,
        grid=(grid,),
        in_specs=[
            pl.BlockSpec((blk, C), lambda i: (i, 0)),
            pl.BlockSpec((C, H), lambda i: (0, 0)),
            pl.BlockSpec((1, H), lambda i: (0, 0)),
            pl.BlockSpec((C, H), lambda i: (0, 0)),
            pl.BlockSpec((1, H), lambda i: (0, 0)),
        ],
        out_specs=[
            pl.BlockSpec((blk, H), lambda i: (i, 0)),
            pl.BlockSpec((blk, H), lambda i: (i, 0)),
        ],
        out_shape=[
            jax.ShapeDtypeStruct((N, H), jnp.float32),
            jax.ShapeDtypeStruct((N, H), jnp.float32),
        ],
    )(e, qk, qb, wk1, wb)


def _tc_post_body(part_ref, ws_ref, wk2_ref, out_ref):
    t = part_ref[...] + jnp.dot(
        ws_ref[...], wk2_ref[...], preferred_element_type=jnp.float32
    )
    h = _leaky(t)
    nrm = jnp.sqrt(jnp.sum(h * h, axis=1, keepdims=True))
    out_ref[...] = h / (nrm + 1e-6)


def _tc_post(part, ws, wk2):
    blk = 1000
    grid = N // blk
    return pl.pallas_call(
        _tc_post_body,
        grid=(grid,),
        in_specs=[
            pl.BlockSpec((blk, H), lambda i: (i, 0)),
            pl.BlockSpec((blk, H), lambda i: (i, 0)),
            pl.BlockSpec((H, H), lambda i: (0, 0)),
        ],
        out_specs=pl.BlockSpec((blk, H), lambda i: (i, 0)),
        out_shape=jax.ShapeDtypeStruct((N, H), jnp.float32),
    )(part, ws, wk2)


NBUF = 4
DIST = 3


def _sc_body(idx_hbm, wflat_hbm, hid_hbm, out_hbm,
             idx_v, widx_v, out_v, hbuf, wbuf, hsem, wsem):
    wid = lax.axis_index("s") * NC + lax.axis_index("c")
    base = wid * NP

    pltpu.sync_copy(idx_hbm.at[pl.ds(base * K, NP * K)], idx_v)

    def widx_body(v, carry):
        e0 = v * L
        lanes = e0 + lax.broadcasted_iota(jnp.int32, (L,), 0)
        node = base + lax.shift_right_logical(lanes, 5)
        node = jnp.minimum(node, N - 1)
        widx_v[pl.ds(e0, L)] = node * N + idx_v[pl.ds(e0, L)]
        return carry

    lax.fori_loop(0, NP * K // L, widx_body, 0)

    def gathers(t, b):
        h = pltpu.make_async_copy(
            hid_hbm.at[idx_v.at[pl.ds(t * (G * K), G * K)]],
            hbuf.at[pl.ds(b * (G * K), G * K)],
            hsem.at[b],
        )
        w = pltpu.make_async_copy(
            wflat_hbm.at[widx_v.at[pl.ds(t * (G * K), G * K)]],
            wbuf.at[pl.ds(b * (G * K), G * K)],
            wsem.at[b],
        )
        return h, w

    def issue(t, b):
        h, w = gathers(t, b)
        h.start()
        w.start()

    def wait(t, b):
        h, w = gathers(t, b)
        h.wait()
        w.wait()

    lane = lax.broadcasted_iota(jnp.int32, (L,), 0)

    def lane_total(v):
        for s in (8, 4, 2, 1):
            v = v + v.at[lane ^ s].get(mode="promise_in_bounds")
        return v

    def splat(v, k):
        return v.at[jnp.full((L,), 0, jnp.int32) + k].get(
            mode="promise_in_bounds")

    def compute(t, b):
        rowbase = b * (G * K)
        for g in range(G):
            w0 = wbuf[pl.ds(rowbase + g * K, L)]
            w1 = wbuf[pl.ds(rowbase + g * K + L, L)]
            den = lane_total(w0 + w1)
            rb = 1.0 / (den + 1e-6)

            def kbody(k, acc):
                km = k & (L - 1)
                wbk = jnp.where(k < L, splat(w0, km), splat(w1, km))
                row = rowbase + g * K + k
                return tuple(
                    acc[j] + wbk * hbuf[row, pl.ds(j * L, L)]
                    for j in range(H // L)
                )

            acc = lax.fori_loop(
                0, K, kbody,
                tuple(jnp.zeros((L,), jnp.float32) for _ in range(H // L)),
            )
            for j in range(H // L):
                out_v[t * G + g, pl.ds(j * L, L)] = acc[j] * rb

    for t in range(DIST):
        issue(t, t % NBUF)

    def step(t, carry):
        issue(jnp.minimum(t + DIST, NB - 1), (t + DIST) & (NBUF - 1))
        wait(t, t & (NBUF - 1))
        compute(t, t & (NBUF - 1))
        return carry

    lax.fori_loop(0, NB, step, 0)

    for d in range(DIST):
        wait(NB - 1, (NB + d) % NBUF)

    pltpu.sync_copy(out_v, out_hbm.at[pl.ds(base, NP)])


@functools.partial(
    pl.kernel,
    out_type=jax.ShapeDtypeStruct((NPAD, H), jnp.float32),
    mesh=plsc.VectorSubcoreMesh(
        core_axis_name="c", subcore_axis_name="s", num_cores=NC, num_subcores=NS
    ),
    compiler_params=pltpu.CompilerParams(
        needs_layout_passes=False, disable_bounds_checks=True
    ),
    scratch_types=[
        pltpu.VMEM((NP * K,), jnp.int32),
        pltpu.VMEM((NP * K,), jnp.int32),
        pltpu.VMEM((NP, H), jnp.float32),
        pltpu.VMEM((NBUF * G * K, H), jnp.float32),
        pltpu.VMEM((NBUF * G * K,), jnp.float32),
        pltpu.SemaphoreType.DMA((NBUF,)),
        pltpu.SemaphoreType.DMA((NBUF,)),
    ],
)
def _sc_aggregate(idx_hbm, wflat_hbm, hid_hbm, out_hbm, *rest):
    _sc_body(idx_hbm, wflat_hbm, hid_hbm, out_hbm, *rest)


def kernel(embeddings, weights, neighbor_set, Qk, Qb, Wk, Wb):
    e = embeddings[0]
    idx = neighbor_set.astype(jnp.int32)
    pad_idx = (jnp.arange((NPAD - N) * K, dtype=jnp.int32) % N).reshape(
        NPAD - N, K)
    idx_pad = jnp.concatenate([idx, pad_idx], axis=0).reshape(NPAD * K)
    wflat = weights.reshape(N * N)

    qb2 = Qb.reshape(1, H)
    wb2 = Wb.reshape(1, H)
    wk1 = Wk[:C]
    wk2 = Wk[C:]

    hid, part = _tc_pre(e, Qk, qb2, wk1, wb2)
    ws_pad = _sc_aggregate(idx_pad, wflat, hid)
    out = _tc_post(part, ws_pad[:N], wk2)
    return out[None]

# --- scband reference (transcript-rebuilt; emitter-appended) ---
"""Pipeline reference for scband-convolve-4509715661235 (READ-ONLY COPY).

The authoritative reference and input builder live on the scoring server;
editing this copy changes nothing except your own understanding.
"""

import jax, jax.numpy as jnp
import numpy as np

N = 10000
K = 32
C = 128
H = 128
B = 1


def setup_inputs(seed: int = 0) -> dict:
    key = jax.random.key(seed)
    k1, k2, k3, k4, k5, k6, k7 = jax.random.split(key, 7)
    embeddings = jax.random.normal(k1, (B, N, C), dtype=jnp.float32)
    weights = jax.random.uniform(k2, (N, N), dtype=jnp.float32)
    neighbor_set = jax.random.randint(k3, (N, K), 0, N, dtype=jnp.int64)
    # Dense layer params (Q: C->H, W: (C+H)->H), glorot-ish init
    Qk = jax.random.normal(k4, (C, H), dtype=jnp.float32) * (1.0 / np.sqrt(C))
    Qb = jnp.zeros((H,), dtype=jnp.float32)
    Wk = jax.random.normal(k5, (C + H, H), dtype=jnp.float32) * (1.0 / np.sqrt(C + H))
    Wb = jnp.zeros((H,), dtype=jnp.float32)
    return {"embeddings": embeddings, "weights": weights, "neighbor_set": neighbor_set,
            "Qk": Qk, "Qb": Qb, "Wk": Wk, "Wb": Wb}


def _leaky(x):
    # keras LeakyReLU default alpha=0.3
    return jnp.where(x >= 0, x, 0.3 * x)


def reference(embeddings, weights, neighbor_set, Qk, Qb, Wk, Wb):
    # embeddings: [B, N, C]; weights: [N, N]; neighbor_set: [N, K]
    # gather neighbor embeddings: transpose -> [N, B, C], index axis0 -> [N, K, B, C], transpose -> [B, N, K, C]
    e_t = jnp.transpose(embeddings, (1, 0, 2))
    ne = jnp.take(e_t, neighbor_set, axis=0)          # [N, K, B, C]
    neighbor_embeddings = jnp.transpose(ne, (2, 0, 1, 3))  # [B, N, K, C]
    neighbor_hiddens = _leaky(jnp.einsum('bnkc,ch->bnkh', neighbor_embeddings, Qk) + Qb)  # [B, N, K, H]
    n, k = neighbor_set.shape
    node_nums = jnp.tile(jnp.arange(n)[:, None], (1, k))                # [N, K]
    neighbor_weights = weights[node_nums, neighbor_set]                 # [N, K]
    neighbor_weights = neighbor_weights[None, :, :, None]               # [1, N, K, 1]
    weighted_sum_hidden = jnp.sum(neighbor_hiddens * neighbor_weights, axis=2) / (
        jnp.sum(neighbor_weights, axis=2) + 1e-06)                      # [B, N, H]
    concated = jnp.concatenate([embeddings, weighted_sum_hidden], axis=-1)  # [B, N, C+H]
    hidden_new = _leaky(jnp.einsum('bnd,dh->bnh', concated, Wk) + Wb)   # [B, N, H]
    normalized = hidden_new / (jnp.linalg.norm(hidden_new, axis=2, keepdims=True) + 1e-06)
    return normalized

if __name__ == "__main__":
    import jax
    _d = setup_inputs()
    print(jax.jit(kernel)(*tuple(_d.values())))

</pallas_src>

<mosaic_0001>
#map = affine_map<(d0, d1) -> (0)>
#map1 = affine_map<(d0, d1) -> (0, 0)>
module attributes {stable_mosaic.version = 14 : i64} {
  func.func @_sc_aggregate(%arg0: i32, %arg1: i32, %arg2: memref<327680xi32, #tpu.memory_space<hbm>>, %arg3: memref<100000000xf32, #tpu.memory_space<hbm>>, %arg4: memref<10000x128xf32, #tpu.memory_space<hbm>>, %arg5: memref<10240x128xf32, #tpu.memory_space<hbm>>, %arg6: memref<10240xi32, #tpu.memory_space<vmem>>, %arg7: memref<10240xi32, #tpu.memory_space<vmem>>, %arg8: memref<320x128xf32, #tpu.memory_space<vmem>>, %arg9: memref<256x128xf32, #tpu.memory_space<vmem>>, %arg10: memref<256xf32, #tpu.memory_space<vmem>>, %arg11: memref<4x!tpu.dma_semaphore, #tpu.memory_space<semaphore_mem>>, %arg12: memref<4x!tpu.dma_semaphore, #tpu.memory_space<semaphore_mem>>) attributes {dimension_semantics = [#tpu.dimension_semantics<core_parallel>, #tpu.dimension_semantics<subcore_parallel>], iteration_bounds = array<i64: 2, 16>, scalar_prefetch = 0 : i64, scratch_operands = 7 : i64, tpu.core_type = #tpu.core_type<sc_vector_subcore>, window_params = [{transform_indices = #map}, {transform_indices = #map}, {transform_indices = #map1}, {transform_indices = #map1}]} {
    %mul3A = arith.constant 2 : i32
    %mul3A_0 = arith.muli %arg1, %mul3A : i32
    %add3A = arith.addi %mul3A_0, %arg0 : i32
    %mul3A_1 = arith.constant 320 : i32
    %mul3A_2 = arith.muli %add3A, %mul3A_1 : i32
    %mul3A_3 = arith.constant 32 : i32
    %mul3A_4 = arith.muli %mul3A_2, %mul3A_3 : i32
    "tpu.region"() ({
      %run_scoped3A = tpu.sem_alloc : memref<!tpu.dma_semaphore, #tpu.memory_space<semaphore_mem>>
      %dma_start3A_134 = tpu.memref_slice %arg2[%mul3A_4] : memref<327680xi32, #tpu.memory_space<hbm>> -> memref<10240xi32, #tpu.memory_space<hbm>>
      %dma_start3A_135 = tpu.memref_slice %arg2[%mul3A_4] : memref<327680xi32, #tpu.memory_space<hbm>> -> memref<10240xi32, #tpu.memory_space<hbm>>
      tpu.enqueue_dma source(%dma_start3A_135 : memref<10240xi32, #tpu.memory_space<hbm>>) target(%arg6 : memref<10240xi32, #tpu.memory_space<vmem>>) target_semaphore(%run_scoped3A : memref<!tpu.dma_semaphore, #tpu.memory_space<semaphore_mem>>)
      %dma_wait3A_136 = tpu.memref_slice %arg2[%mul3A_4] : memref<327680xi32, #tpu.memory_space<hbm>> -> memref<10240xi32, #tpu.memory_space<hbm>>
      %dma_wait3A_137 = tpu.memref_slice %arg2[%mul3A_4] : memref<327680xi32, #tpu.memory_space<hbm>> -> memref<10240xi32, #tpu.memory_space<hbm>>
      tpu.wait_dma2 semaphore(%run_scoped3A : memref<!tpu.dma_semaphore, #tpu.memory_space<semaphore_mem>>) src(%dma_wait3A_137 : memref<10240xi32, #tpu.memory_space<hbm>>) dst(%arg6 : memref<10240xi32, #tpu.memory_space<vmem>>)
      tpu.yield
    }) : () -> ()
    %scan3A = arith.constant 0 : i32
    %scan3A_5 = arith.constant 0 : i32
    %scan3A_6 = arith.constant 640 : i32
    %scan3A_7 = arith.addi %scan3A_5, %scan3A_6 : i32
    %scan3A_8 = arith.constant 1 : i32
    scf.for %scan3A_134 = %scan3A_5 to %scan3A_7 step %scan3A_8  : i32 {
      %mul3A_135 = arith.constant 16 : i32
      %mul3A_136 = arith.muli %scan3A_134, %mul3A_135 : i32
      %iota3A_137 = tpu.iota {dimensions = array<i32: 0>} : vector<16xi32>
      %add3A_138 = vector.broadcast %mul3A_136 : i32 to vector<16xi32>
      %add3A_139 = arith.addi %add3A_138, %iota3A_137 : vector<16xi32>
      %shift_right_logical3A = arith.constant 5 : i32
      %shift_right_logical3A_140 = vector.broadcast %shift_right_logical3A : i32 to vector<16xi32>
      %shift_right_logical3A_141 = arith.shrui %add3A_139, %shift_right_logical3A_140 : vector<16xi32>
      %add3A_142 = vector.broadcast %mul3A_2 : i32 to vector<16xi32>
      %add3A_143 = arith.addi %add3A_142, %shift_right_logical3A_141 : vector<16xi32>
      %min3A = arith.constant 9999 : i32
      %min3A_144 = vector.broadcast %min3A : i32 to vector<16xi32>
      %min3A_145 = arith.minsi %add3A_143, %min3A_144 : vector<16xi32>
      %mul3A_146 = arith.constant 10000 : i32
      %mul3A_147 = vector.broadcast %mul3A_146 : i32 to vector<16xi32>
      %mul3A_148 = arith.muli %min3A_145, %mul3A_147 : vector<16xi32>
      %get3A = arith.index_cast %mul3A_136 : i32 to index
      %get3A_149 = tpu.vector_load %arg6[%get3A] {strides = array<i32>} : memref<10240xi32, #tpu.memory_space<vmem>>, vector<16xi32>,
      %add3A_150 = arith.addi %mul3A_148, %get3A_149 : vector<16xi32>
      %swap3A = arith.index_cast %mul3A_136 : i32 to index
      %swap3A_151 = tpu.vector_load %arg7[%swap3A] {strides = array<i32>} : memref<10240xi32, #tpu.memory_space<vmem>>, vector<16xi32>,
      tpu.vector_store %arg7[%swap3A], %add3A_150 {strides = array<i32>} : memref<10240xi32, #tpu.memory_space<vmem>>, vector<16xi32>,
    }
    %scan3A_9 = arith.constant 640 : i32
    %iota3A = tpu.iota {dimensions = array<i32: 0>} : vector<16xi32>
    %dma_start3A = arith.constant 0 : i32
    %dma_start3A_10 = arith.constant 0 : i32
    %dma_start3A_11 = arith.constant 0 : i32
    %dma_start3A_12 = tpu.memref_slice %arg9[%dma_start3A_10, %dma_start3A_11] : memref<256x128xf32, #tpu.memory_space<vmem>> -> memref<64x128xf32, #tpu.memory_space<vmem>>
    %dma_start3A_13 = arith.constant 0 : i32
    %dma_start3A_14 = tpu.memref_slice %arg6[%dma_start3A_13] : memref<10240xi32, #tpu.memory_space<vmem>> -> memref<64xi32, #tpu.memory_space<vmem>>
    %dma_start3A_15 = arith.constant 0 : i32
    %dma_start3A_16 = arith.constant 0 : i32
    %dma_start3A_17 = tpu.memref_slice %arg4[%dma_start3A_15, %dma_start3A_16] : memref<10000x128xf32, #tpu.memory_space<hbm>> -> memref<10000x128xf32, #tpu.memory_space<hbm>>
    %dma_start3A_18 = tpu.memref_slice %arg11[%dma_start3A] : memref<4x!tpu.dma_semaphore, #tpu.memory_space<semaphore_mem>> -> memref<1x!tpu.dma_semaphore, #tpu.memory_space<semaphore_mem>>
    %dma_start3A_19 = tpu.memref_squeeze %dma_start3A_18 : memref<1x!tpu.dma_semaphore, #tpu.memory_space<semaphore_mem>> -> memref<!tpu.dma_semaphore, #tpu.memory_space<semaphore_mem>>
    tpu.enqueue_indirect_dma source(%dma_start3A_17 : memref<10000x128xf32, #tpu.memory_space<hbm>>) target(%dma_start3A_12 : memref<64x128xf32, #tpu.memory_space<vmem>>) offsets(%dma_start3A_14 : memref<64xi32, #tpu.memory_space<vmem>>) semaphore(%dma_start3A_19 : memref<!tpu.dma_semaphore, #tpu.memory_space<semaphore_mem>>)
    %dma_start3A_20 = arith.constant 0 : i32
    %dma_start3A_21 = arith.constant 0 : i32
    %dma_start3A_22 = tpu.memref_slice %arg10[%dma_start3A_21] : memref<256xf32, #tpu.memory_space<vmem>> -> memref<64xf32, #tpu.memory_space<vmem>>
    %dma_start3A_23 = arith.constant 0 : i32
    %dma_start3A_24 = tpu.memref_slice %arg7[%dma_start3A_23] : memref<10240xi32, #tpu.memory_space<vmem>> -> memref<64xi32, #tpu.memory_space<vmem>>
    %dma_start3A_25 = arith.constant 0 : i32
    %dma_start3A_26 = tpu.memref_slice %arg3[%dma_start3A_25] : memref<100000000xf32, #tpu.memory_space<hbm>> -> memref<100000000xf32, #tpu.memory_space<hbm>>
    %dma_start3A_27 = tpu.memref_slice %arg12[%dma_start3A_20] : memref<4x!tpu.dma_semaphore, #tpu.memory_space<semaphore_mem>> -> memref<1x!tpu.dma_semaphore, #tpu.memory_space<semaphore_mem>>
    %dma_start3A_28 = tpu.memref_squeeze %dma_start3A_27 : memref<1x!tpu.dma_semaphore, #tpu.memory_space<semaphore_mem>> -> memref<!tpu.dma_semaphore, #tpu.memory_space<semaphore_mem>>
    tpu.enqueue_indirect_dma source(%dma_start3A_26 : memref<100000000xf32, #tpu.memory_space<hbm>>) target(%dma_start3A_22 : memref<64xf32, #tpu.memory_space<vmem>>) offsets(%dma_start3A_24 : memref<64xi32, #tpu.memory_space<vmem>>) semaphore(%dma_start3A_28 : memref<!tpu.dma_semaphore, #tpu.memory_space<semaphore_mem>>)
    %dma_start3A_29 = arith.constant 1 : i32
    %dma_start3A_30 = arith.constant 64 : i32
    %dma_start3A_31 = arith.constant 0 : i32
    %dma_start3A_32 = tpu.memref_slice %arg9[%dma_start3A_30, %dma_start3A_31] : memref<256x128xf32, #tpu.memory_space<vmem>> -> memref<64x128xf32, #tpu.memory_space<vmem>>
    %dma_start3A_33 = arith.constant 64 : i32
    %dma_start3A_34 = tpu.memref_slice %arg6[%dma_start3A_33] : memref<10240xi32, #tpu.memory_space<vmem>> -> memref<64xi32, #tpu.memory_space<vmem>>
    %dma_start3A_35 = arith.constant 0 : i32
    %dma_start3A_36 = arith.constant 0 : i32
    %dma_start3A_37 = tpu.memref_slice %arg4[%dma_start3A_35, %dma_start3A_36] : memref<10000x128xf32, #tpu.memory_space<hbm>> -> memref<10000x128xf32, #tpu.memory_space<hbm>>
    %dma_start3A_38 = tpu.memref_slice %arg11[%dma_start3A_29] : memref<4x!tpu.dma_semaphore, #tpu.memory_space<semaphore_mem>> -> memref<1x!tpu.dma_semaphore, #tpu.memory_space<semaphore_mem>>
    %dma_start3A_39 = tpu.memref_squeeze %dma_start3A_38 : memref<1x!tpu.dma_semaphore, #tpu.memory_space<semaphore_mem>> -> memref<!tpu.dma_semaphore, #tpu.memory_space<semaphore_mem>>
    tpu.enqueue_indirect_dma source(%dma_start3A_37 : memref<10000x128xf32, #tpu.memory_space<hbm>>) target(%dma_start3A_32 : memref<64x128xf32, #tpu.memory_space<vmem>>) offsets(%dma_start3A_34 : memref<64xi32, #tpu.memory_space<vmem>>) semaphore(%dma_start3A_39 : memref<!tpu.dma_semaphore, #tpu.memory_space<semaphore_mem>>)
    %dma_start3A_40 = arith.constant 1 : i32
    %dma_start3A_41 = arith.constant 64 : i32
    %dma_start3A_42 = tpu.memref_slice %arg10[%dma_start3A_41] : memref<256xf32, #tpu.memory_space<vmem>> -> memref<64xf32, #tpu.memory_space<vmem>>
    %dma_start3A_43 = arith.constant 64 : i32
    %dma_start3A_44 = tpu.memref_slice %arg7[%dma_start3A_43] : memref<10240xi32, #tpu.memory_space<vmem>> -> memref<64xi32, #tpu.memory_space<vmem>>
    %dma_start3A_45 = arith.constant 0 : i32
    %dma_start3A_46 = tpu.memref_slice %arg3[%dma_start3A_45] : memref<100000000xf32, #tpu.memory_space<hbm>> -> memref<100000000xf32, #tpu.memory_space<hbm>>
    %dma_start3A_47 = tpu.memref_slice %arg12[%dma_start3A_40] : memref<4x!tpu.dma_semaphore, #tpu.memory_space<semaphore_mem>> -> memref<1x!tpu.dma_semaphore, #tpu.memory_space<semaphore_mem>>
    %dma_start3A_48 = tpu.memref_squeeze %dma_start3A_47 : memref<1x!tpu.dma_semaphore, #tpu.memory_space<semaphore_mem>> -> memref<!tpu.dma_semaphore, #tpu.memory_space<semaphore_mem>>
    tpu.enqueue_indirect_dma source(%dma_start3A_46 : memref<100000000xf32, #tpu.memory_space<hbm>>) target(%dma_start3A_42 : memref<64xf32, #tpu.memory_space<vmem>>) offsets(%dma_start3A_44 : memref<64xi32, #tpu.memory_space<vmem>>) semaphore(%dma_start3A_48 : memref<!tpu.dma_semaphore, #tpu.memory_space<semaphore_mem>>)
    %dma_start3A_49 = arith.constant 2 : i32
    %dma_start3A_50 = arith.constant 128 : i32
    %dma_start3A_51 = arith.constant 0 : i32
    %dma_start3A_52 = tpu.memref_slice %arg9[%dma_start3A_50, %dma_start3A_51] : memref<256x128xf32, #tpu.memory_space<vmem>> -> memref<64x128xf32, #tpu.memory_space<vmem>>
    %dma_start3A_53 = arith.constant 128 : i32
    %dma_start3A_54 = tpu.memref_slice %arg6[%dma_start3A_53] : memref<10240xi32, #tpu.memory_space<vmem>> -> memref<64xi32, #tpu.memory_space<vmem>>
    %dma_start3A_55 = arith.constant 0 : i32
    %dma_start3A_56 = arith.constant 0 : i32
    %dma_start3A_57 = tpu.memref_slice %arg4[%dma_start3A_55, %dma_start3A_56] : memref<10000x128xf32, #tpu.memory_space<hbm>> -> memref<10000x128xf32, #tpu.memory_space<hbm>>
    %dma_start3A_58 = tpu.memref_slice %arg11[%dma_start3A_49] : memref<4x!tpu.dma_semaphore, #tpu.memory_space<semaphore_mem>> -> memref<1x!tpu.dma_semaphore, #tpu.memory_space<semaphore_mem>>
    %dma_start3A_59 = tpu.memref_squeeze %dma_start3A_58 : memref<1x!tpu.dma_semaphore, #tpu.memory_space<semaphore_mem>> -> memref<!tpu.dma_semaphore, #tpu.memory_space<semaphore_mem>>
    tpu.enqueue_indirect_dma source(%dma_start3A_57 : memref<10000x128xf32, #tpu.memory_space<hbm>>) target(%dma_start3A_52 : memref<64x128xf32, #tpu.memory_space<vmem>>) offsets(%dma_start3A_54 : memref<64xi32, #tpu.memory_space<vmem>>) semaphore(%dma_start3A_59 : memref<!tpu.dma_semaphore, #tpu.memory_space<semaphore_mem>>)
    %dma_start3A_60 = arith.constant 2 : i32
    %dma_start3A_61 = arith.constant 128 : i32
    %dma_start3A_62 = tpu.memref_slice %arg10[%dma_start3A_61] : memref<256xf32, #tpu.memory_space<vmem>> -> memref<64xf32, #tpu.memory_space<vmem>>
    %dma_start3A_63 = arith.constant 128 : i32
    %dma_start3A_64 = tpu.memref_slice %arg7[%dma_start3A_63] : memref<10240xi32, #tpu.memory_space<vmem>> -> memref<64xi32, #tpu.memory_space<vmem>>
    %dma_start3A_65 = arith.constant 0 : i32
    %dma_start3A_66 = tpu.memref_slice %arg3[%dma_start3A_65] : memref<100000000xf32, #tpu.memory_space<hbm>> -> memref<100000000xf32, #tpu.memory_space<hbm>>
    %dma_start3A_67 = tpu.memref_slice %arg12[%dma_start3A_60] : memref<4x!tpu.dma_semaphore, #tpu.memory_space<semaphore_mem>> -> memref<1x!tpu.dma_semaphore, #tpu.memory_space<semaphore_mem>>
    %dma_start3A_68 = tpu.memref_squeeze %dma_start3A_67 : memref<1x!tpu.dma_semaphore, #tpu.memory_space<semaphore_mem>> -> memref<!tpu.dma_semaphore, #tpu.memory_space<semaphore_mem>>
    tpu.enqueue_indirect_dma source(%dma_start3A_66 : memref<100000000xf32, #tpu.memory_space<hbm>>) target(%dma_start3A_62 : memref<64xf32, #tpu.memory_space<vmem>>) offsets(%dma_start3A_64 : memref<64xi32, #tpu.memory_space<vmem>>) semaphore(%dma_start3A_68 : memref<!tpu.dma_semaphore, #tpu.memory_space<semaphore_mem>>)
    %scan3A_69 = arith.constant 0 : i32
    %scan3A_70 = arith.constant 0 : i32
    %scan3A_71 = arith.constant 160 : i32
    %scan3A_72 = arith.addi %scan3A_70, %scan3A_71 : i32
    %scan3A_73 = arith.constant 1 : i32
    scf.for %scan3A_134 = %scan3A_70 to %scan3A_72 step %scan3A_73  : i32 {
      %add3A_135 = arith.constant 3 : i32
      %add3A_136 = arith.addi %scan3A_134, %add3A_135 : i32
      %min3A = arith.constant 159 : i32
      %min3A_137 = arith.minsi %add3A_136, %min3A : i32
      %add3A_138 = arith.constant 3 : i32
      %add3A_139 = arith.addi %scan3A_134, %add3A_138 : i32
      %and3A = arith.constant 3 : i32
      %and3A_140 = arith.andi %add3A_139, %and3A : i32
      %mul3A_141 = arith.constant 64 : i32
      %mul3A_142 = arith.muli %min3A_137, %mul3A_141 : i32
      %mul3A_143 = arith.constant 64 : i32
      %mul3A_144 = arith.muli %and3A_140, %mul3A_143 : i32
      %mul3A_145 = arith.constant 64 : i32
      %mul3A_146 = arith.muli %min3A_137, %mul3A_145 : i32
      %mul3A_147 = arith.constant 64 : i32
      %mul3A_148 = arith.muli %and3A_140, %mul3A_147 : i32
      %dma_start3A_149 = arith.constant 0 : i32
      %dma_start3A_150 = tpu.memref_slice %arg9[%mul3A_144, %dma_start3A_149] : memref<256x128xf32, #tpu.memory_space<vmem>> -> memref<64x128xf32, #tpu.memory_space<vmem>>
      %dma_start3A_151 = tpu.memref_slice %arg6[%mul3A_142] : memref<10240xi32, #tpu.memory_space<vmem>> -> memref<64xi32, #tpu.memory_space<vmem>>
      %dma_start3A_152 = arith.constant 0 : i32
      %dma_start3A_153 = arith.constant 0 : i32
      %dma_start3A_154 = tpu.memref_slice %arg4[%dma_start3A_152, %dma_start3A_153] : memref<10000x128xf32, #tpu.memory_space<hbm>> -> memref<10000x128xf32, #tpu.memory_space<hbm>>
      %dma_start3A_155 = tpu.memref_slice %arg11[%and3A_140] : memref<4x!tpu.dma_semaphore, #tpu.memory_space<semaphore_mem>> -> memref<1x!tpu.dma_semaphore, #tpu.memory_space<semaphore_mem>>
      %dma_start3A_156 = tpu.memref_squeeze %dma_start3A_155 : memref<1x!tpu.dma_semaphore, #tpu.memory_space<semaphore_mem>> -> memref<!tpu.dma_semaphore, #tpu.memory_space<semaphore_mem>>
      tpu.enqueue_indirect_dma source(%dma_start3A_154 : memref<10000x128xf32, #tpu.memory_space<hbm>>) target(%dma_start3A_150 : memref<64x128xf32, #tpu.memory_space<vmem>>) offsets(%dma_start3A_151 : memref<64xi32, #tpu.memory_space<vmem>>) semaphore(%dma_start3A_156 : memref<!tpu.dma_semaphore, #tpu.memory_space<semaphore_mem>>)
      %dma_start3A_157 = tpu.memref_slice %arg10[%mul3A_148] : memref<256xf32, #tpu.memory_space<vmem>> -> memref<64xf32, #tpu.memory_space<vmem>>
      %dma_start3A_158 = tpu.memref_slice %arg7[%mul3A_146] : memref<10240xi32, #tpu.memory_space<vmem>> -> memref<64xi32, #tpu.memory_space<vmem>>
      %dma_start3A_159 = arith.constant 0 : i32
      %dma_start3A_160 = tpu.memref_slice %arg3[%dma_start3A_159] : memref<100000000xf32, #tpu.memory_space<hbm>> -> memref<100000000xf32, #tpu.memory_space<hbm>>
      %dma_start3A_161 = tpu.memref_slice %arg12[%and3A_140] : memref<4x!tpu.dma_semaphore, #tpu.memory_space<semaphore_mem>> -> memref<1x!tpu.dma_semaphore, #tpu.memory_space<semaphore_mem>>
      %dma_start3A_162 = tpu.memref_squeeze %dma_start3A_161 : memref<1x!tpu.dma_semaphore, #tpu.memory_space<semaphore_mem>> -> memref<!tpu.dma_semaphore, #tpu.memory_space<semaphore_mem>>
      tpu.enqueue_indirect_dma source(%dma_start3A_160 : memref<100000000xf32, #tpu.memory_space<hbm>>) target(%dma_start3A_157 : memref<64xf32, #tpu.memory_space<vmem>>) offsets(%dma_start3A_158 : memref<64xi32, #tpu.memory_space<vmem>>) semaphore(%dma_start3A_162 : memref<!tpu.dma_semaphore, #tpu.memory_space<semaphore_mem>>)
      %and3A_163 = arith.constant 3 : i32
      %and3A_164 = arith.andi %scan3A_134, %and3A_163 : i32
      %mul3A_165 = arith.constant 64 : i32
      %mul3A_166 = arith.muli %scan3A_134, %mul3A_165 : i32
      %mul3A_167 = arith.constant 64 : i32
      %mul3A_168 = arith.muli %and3A_164, %mul3A_167 : i32
      %mul3A_169 = arith.constant 64 : i32
      %mul3A_170 = arith.muli %scan3A_134, %mul3A_169 : i32
      %mul3A_171 = arith.constant 64 : i32
      %mul3A_172 = arith.muli %and3A_164, %mul3A_171 : i32
      %dma_wait3A_173 = arith.constant 0 : i32
      %dma_wait3A_174 = tpu.memref_slice %arg9[%mul3A_168, %dma_wait3A_173] : memref<256x128xf32, #tpu.memory_space<vmem>> -> memref<64x128xf32, #tpu.memory_space<vmem>>
      %dma_wait3A_175 = tpu.memref_slice %arg6[%mul3A_166] : memref<10240xi32, #tpu.memory_space<vmem>> -> memref<64xi32, #tpu.memory_space<vmem>>
      %dma_wait3A_176 = arith.constant 0 : i32
      %dma_wait3A_177 = arith.constant 0 : i32
      %dma_wait3A_178 = tpu.memref_slice %arg4[%dma_wait3A_176, %dma_wait3A_177] : memref<10000x128xf32, #tpu.memory_space<hbm>> -> memref<10000x128xf32, #tpu.memory_space<hbm>>
      %dma_wait3A_179 = tpu.memref_slice %arg11[%and3A_164] : memref<4x!tpu.dma_semaphore, #tpu.memory_space<semaphore_mem>> -> memref<1x!tpu.dma_semaphore, #tpu.memory_space<semaphore_mem>>
      %dma_wait3A_180 = tpu.memref_squeeze %dma_wait3A_179 : memref<1x!tpu.dma_semaphore, #tpu.memory_space<semaphore_mem>> -> memref<!tpu.dma_semaphore, #tpu.memory_space<semaphore_mem>>
      tpu.wait_indirect_dma semaphore(%dma_wait3A_180 : memref<!tpu.dma_semaphore, #tpu.memory_space<semaphore_mem>>) src(%dma_wait3A_178 : memref<10000x128xf32, #tpu.memory_space<hbm>>) dst(%dma_wait3A_174 : memref<64x128xf32, #tpu.memory_space<vmem>>)
      %dma_wait3A_181 = tpu.memref_slice %arg10[%mul3A_172] : memref<256xf32, #tpu.memory_space<vmem>> -> memref<64xf32, #tpu.memory_space<vmem>>
      %dma_wait3A_182 = tpu.memref_slice %arg7[%mul3A_170] : memref<10240xi32, #tpu.memory_space<vmem>> -> memref<64xi32, #tpu.memory_space<vmem>>
      %dma_wait3A_183 = arith.constant 0 : i32
      %dma_wait3A_184 = tpu.memref_slice %arg3[%dma_wait3A_183] : memref<100000000xf32, #tpu.memory_space<hbm>> -> memref<100000000xf32, #tpu.memory_space<hbm>>
      %dma_wait3A_185 = tpu.memref_slice %arg12[%and3A_164] : memref<4x!tpu.dma_semaphore, #tpu.memory_space<semaphore_mem>> -> memref<1x!tpu.dma_semaphore, #tpu.memory_space<semaphore_mem>>
      %dma_wait3A_186 = tpu.memref_squeeze %dma_wait3A_185 : memref<1x!tpu.dma_semaphore, #tpu.memory_space<semaphore_mem>> -> memref<!tpu.dma_semaphore, #tpu.memory_space<semaphore_mem>>
      tpu.wait_indirect_dma semaphore(%dma_wait3A_186 : memref<!tpu.dma_semaphore, #tpu.memory_space<semaphore_mem>>) src(%dma_wait3A_184 : memref<100000000xf32, #tpu.memory_space<hbm>>) dst(%dma_wait3A_181 : memref<64xf32, #tpu.memory_space<vmem>>)
      %and3A_187 = arith.constant 3 : i32
      %and3A_188 = arith.andi %scan3A_134, %and3A_187 : i32
      %mul3A_189 = arith.constant 64 : i32
      %mul3A_190 = arith.muli %and3A_188, %mul3A_189 : i32
      %add3A_191 = arith.constant 0 : i32
      %add3A_192 = arith.addi %mul3A_190, %add3A_191 : i32
      %get3A = arith.index_cast %add3A_192 : i32 to index
      %get3A_193 = tpu.vector_load %arg10[%get3A] {strides = array<i32>} : memref<256xf32, #tpu.memory_space<vmem>>, vector<16xf32>,
      %add3A_194 = arith.constant 0 : i32
      %add3A_195 = arith.addi %mul3A_190, %add3A_194 : i32
      %add3A_196 = arith.constant 16 : i32
      %add3A_197 = arith.addi %add3A_195, %add3A_196 : i32
      %get3A_198 = arith.index_cast %add3A_197 : i32 to index
      %get3A_199 = tpu.vector_load %arg10[%get3A_198] {strides = array<i32>} : memref<256xf32, #tpu.memory_space<vmem>>, vector<16xf32>,
      %add3A_200 = arith.addf %get3A_193, %get3A_199 : vector<16xf32>
      %xor3A = arith.constant 8 : i32
      %xor3A_201 = vector.broadcast %xor3A : i32 to vector<16xi32>
      %xor3A_202 = arith.xori %iota3A, %xor3A_201 : vector<16xi32>
      %lt3A = arith.constant 0 : i32
      %lt3A_203 = vector.broadcast %lt3A : i32 to vector<16xi32>
      %lt3A_204 = arith.cmpi slt, %xor3A_202, %lt3A_203 : vector<16xi32>
      %add3A_205 = arith.constant 16 : i32
      %add3A_206 = vector.broadcast %add3A_205 : i32 to vector<16xi32>
      %add3A_207 = arith.addi %xor3A_202, %add3A_206 : vector<16xi32>
      %select_n3A = arith.select %lt3A_204, %add3A_207, %xor3A_202 : vector<16xi1>, vector<16xi32>
      %broadcast_in_dim3A = vector.shape_cast %select_n3A : vector<16xi32> to vector<16x1xi32>
      %gather3A = vector.shape_cast %broadcast_in_dim3A : vector<16x1xi32> to vector<16xi32>
      %gather3A_208 = tpu.dynamic_gather %add3A_200[%gather3A] in [0] : vector<16xf32>, vector<16xi32> -> vector<16xf32>
      %add3A_209 = arith.addf %add3A_200, %gather3A_208 : vector<16xf32>
      %xor3A_210 = arith.constant 4 : i32
      %xor3A_211 = vector.broadcast %xor3A_210 : i32 to vector<16xi32>
      %xor3A_212 = arith.xori %iota3A, %xor3A_211 : vector<16xi32>
      %lt3A_213 = arith.constant 0 : i32
      %lt3A_214 = vector.broadcast %lt3A_213 : i32 to vector<16xi32>
      %lt3A_215 = arith.cmpi slt, %xor3A_212, %lt3A_214 : vector<16xi32>
      %add3A_216 = arith.constant 16 : i32
      %add3A_217 = vector.broadcast %add3A_216 : i32 to vector<16xi32>
      %add3A_218 = arith.addi %xor3A_212, %add3A_217 : vector<16xi32>
      %select_n3A_219 = arith.select %lt3A_215, %add3A_218, %xor3A_212 : vector<16xi1>, vector<16xi32>
      %broadcast_in_dim3A_220 = vector.shape_cast %select_n3A_219 : vector<16xi32> to vector<16x1xi32>
      %gather3A_221 = vector.shape_cast %broadcast_in_dim3A_220 : vector<16x1xi32> to vector<16xi32>
      %gather3A_222 = tpu.dynamic_gather %add3A_209[%gather3A_221] in [0] : vector<16xf32>, vector<16xi32> -> vector<16xf32>
      %add3A_223 = arith.addf %add3A_209, %gather3A_222 : vector<16xf32>
      %xor3A_224 = arith.constant 2 : i32
      %xor3A_225 = vector.broadcast %xor3A_224 : i32 to vector<16xi32>
      %xor3A_226 = arith.xori %iota3A, %xor3A_225 : vector<16xi32>
      %lt3A_227 = arith.constant 0 : i32
      %lt3A_228 = vector.broadcast %lt3A_227 : i32 to vector<16xi32>
      %lt3A_229 = arith.cmpi slt, %xor3A_226, %lt3A_228 : vector<16xi32>
      %add3A_230 = arith.constant 16 : i32
      %add3A_231 = vector.broadcast %add3A_230 : i32 to vector<16xi32>
      %add3A_232 = arith.addi %xor3A_226, %add3A_231 : vector<16xi32>
      %select_n3A_233 = arith.select %lt3A_229, %add3A_232, %xor3A_226 : vector<16xi1>, vector<16xi32>
      %broadcast_in_dim3A_234 = vector.shape_cast %select_n3A_233 : vector<16xi32> to vector<16x1xi32>
      %gather3A_235 = vector.shape_cast %broadcast_in_dim3A_234 : vector<16x1xi32> to vector<16xi32>
      %gather3A_236 = tpu.dynamic_gather %add3A_223[%gather3A_235] in [0] : vector<16xf32>, vector<16xi32> -> vector<16xf32>
      %add3A_237 = arith.addf %add3A_223, %gather3A_236 : vector<16xf32>
      %xor3A_238 = arith.constant 1 : i32
      %xor3A_239 = vector.broadcast %xor3A_238 : i32 to vector<16xi32>
      %xor3A_240 = arith.xori %iota3A, %xor3A_239 : vector<16xi32>
      %lt3A_241 = arith.constant 0 : i32
      %lt3A_242 = vector.broadcast %lt3A_241 : i32 to vector<16xi32>
      %lt3A_243 = arith.cmpi slt, %xor3A_240, %lt3A_242 : vector<16xi32>
      %add3A_244 = arith.constant 16 : i32
      %add3A_245 = vector.broadcast %add3A_244 : i32 to vector<16xi32>
      %add3A_246 = arith.addi %xor3A_240, %add3A_245 : vector<16xi32>
      %select_n3A_247 = arith.select %lt3A_243, %add3A_246, %xor3A_240 : vector<16xi1>, vector<16xi32>
      %broadcast_in_dim3A_248 = vector.shape_cast %select_n3A_247 : vector<16xi32> to vector<16x1xi32>
      %gather3A_249 = vector.shape_cast %broadcast_in_dim3A_248 : vector<16x1xi32> to vector<16xi32>
      %gather3A_250 = tpu.dynamic_gather %add3A_237[%gather3A_249] in [0] : vector<16xf32>, vector<16xi32> -> vector<16xf32>
      %add3A_251 = arith.addf %add3A_237, %gather3A_250 : vector<16xf32>
      %add3A_252 = arith.constant 9.99999997E-7 : f32
      %add3A_253 = vector.broadcast %add3A_252 : f32 to vector<16xf32>
      %add3A_254 = arith.addf %add3A_251, %add3A_253 : vector<16xf32>
      %div3A = arith.constant 1.000000e+00 : f32
      %div3A_255 = vector.broadcast %div3A : f32 to vector<16xf32>
      %div3A_256 = arith.divf %div3A_255, %add3A_254 : vector<16xf32>
      %broadcast_in_dim3A_257 = arith.constant 0.000000e+00 : f32
      %broadcast_in_dim3A_258 = vector.broadcast %broadcast_in_dim3A_257 : f32 to vector<16xf32>
      %broadcast_in_dim3A_259 = arith.constant 0.000000e+00 : f32
      %broadcast_in_dim3A_260 = vector.broadcast %broadcast_in_dim3A_259 : f32 to vector<16xf32>
      %broadcast_in_dim3A_261 = arith.constant 0.000000e+00 : f32
      %broadcast_in_dim3A_262 = vector.broadcast %broadcast_in_dim3A_261 : f32 to vector<16xf32>
      %broadcast_in_dim3A_263 = arith.constant 0.000000e+00 : f32
      %broadcast_in_dim3A_264 = vector.broadcast %broadcast_in_dim3A_263 : f32 to vector<16xf32>
      %broadcast_in_dim3A_265 = arith.constant 0.000000e+00 : f32
      %broadcast_in_dim3A_266 = vector.broadcast %broadcast_in_dim3A_265 : f32 to vector<16xf32>
      %broadcast_in_dim3A_267 = arith.constant 0.000000e+00 : f32
      %broadcast_in_dim3A_268 = vector.broadcast %broadcast_in_dim3A_267 : f32 to vector<16xf32>
      %broadcast_in_dim3A_269 = arith.constant 0.000000e+00 : f32
      %broadcast_in_dim3A_270 = vector.broadcast %broadcast_in_dim3A_269 : f32 to vector<16xf32>
      %broadcast_in_dim3A_271 = arith.constant 0.000000e+00 : f32
      %broadcast_in_dim3A_272 = vector.broadcast %broadcast_in_dim3A_271 : f32 to vector<16xf32>
      %scan3A_273 = arith.constant 0 : i32
      %scan3A_274 = arith.constant 32 : i32
      %scan3A_275 = arith.addi %scan3A_273, %scan3A_274 : i32
      %scan3A_276 = arith.constant 1 : i32
      %scan3A_277:8 = scf.for %scan3A_501 = %scan3A_273 to %scan3A_275 step %scan3A_276 iter_args(%scan3A_502 = %broadcast_in_dim3A_258, %scan3A_503 = %broadcast_in_dim3A_260, %scan3A_504 = %broadcast_in_dim3A_262, %scan3A_505 = %broadcast_in_dim3A_264, %scan3A_506 = %broadcast_in_dim3A_266, %scan3A_507 = %broadcast_in_dim3A_268, %scan3A_508 = %broadcast_in_dim3A_270, %scan3A_509 = %broadcast_in_dim3A_272) -> (vector<16xf32>, vector<16xf32>, vector<16xf32>, vector<16xf32>, vector<16xf32>, vector<16xf32>, vector<16xf32>, vector<16xf32>)  : i32 {
        %and3A_510 = arith.constant 15 : i32
        %and3A_511 = arith.andi %scan3A_501, %and3A_510 : i32
        %lt3A_512 = arith.constant 16 : i32
        %lt3A_513 = arith.cmpi slt, %scan3A_501, %lt3A_512 : i32
        %broadcast_in_dim3A_514 = arith.constant 0 : i32
        %broadcast_in_dim3A_515 = vector.broadcast %broadcast_in_dim3A_514 : i32 to vector<16xi32>
        %add3A_516 = vector.broadcast %and3A_511 : i32 to vector<16xi32>
        %add3A_517 = arith.addi %broadcast_in_dim3A_515, %add3A_516 : vector<16xi32>
        %lt3A_518 = arith.constant 0 : i32
        %lt3A_519 = vector.broadcast %lt3A_518 : i32 to vector<16xi32>
        %lt3A_520 = arith.cmpi slt, %add3A_517, %lt3A_519 : vector<16xi32>
        %add3A_521 = arith.constant 16 : i32
        %add3A_522 = vector.broadcast %add3A_521 : i32 to vector<16xi32>
        %add3A_523 = arith.addi %add3A_517, %add3A_522 : vector<16xi32>
        %select_n3A_524 = arith.select %lt3A_520, %add3A_523, %add3A_517 : vector<16xi1>, vector<16xi32>
        %broadcast_in_dim3A_525 = vector.shape_cast %select_n3A_524 : vector<16xi32> to vector<16x1xi32>
        %gather3A_526 = vector.shape_cast %broadcast_in_dim3A_525 : vector<16x1xi32> to vector<16xi32>
        %gather3A_527 = tpu.dynamic_gather %get3A_193[%gather3A_526] in [0] : vector<16xf32>, vector<16xi32> -> vector<16xf32>
        %broadcast_in_dim3A_528 = arith.constant 0 : i32
        %broadcast_in_dim3A_529 = vector.broadcast %broadcast_in_dim3A_528 : i32 to vector<16xi32>
        %add3A_530 = vector.broadcast %and3A_511 : i32 to vector<16xi32>
        %add3A_531 = arith.addi %broadcast_in_dim3A_529, %add3A_530 : vector<16xi32>
        %lt3A_532 = arith.constant 0 : i32
        %lt3A_533 = vector.broadcast %lt3A_532 : i32 to vector<16xi32>
        %lt3A_534 = arith.cmpi slt, %add3A_531, %lt3A_533 : vector<16xi32>
        %add3A_535 = arith.constant 16 : i32
        %add3A_536 = vector.broadcast %add3A_535 : i32 to vector<16xi32>
        %add3A_537 = arith.addi %add3A_531, %add3A_536 : vector<16xi32>
        %select_n3A_538 = arith.select %lt3A_534, %add3A_537, %add3A_531 : vector<16xi1>, vector<16xi32>
        %broadcast_in_dim3A_539 = vector.shape_cast %select_n3A_538 : vector<16xi32> to vector<16x1xi32>
        %gather3A_540 = vector.shape_cast %broadcast_in_dim3A_539 : vector<16x1xi32> to vector<16xi32>
        %gather3A_541 = tpu.dynamic_gather %get3A_199[%gather3A_540] in [0] : vector<16xf32>, vector<16xi32> -> vector<16xf32>
        %select_n3A_542 = arith.select %lt3A_513, %gather3A_527, %gather3A_541 : vector<16xf32>
        %add3A_543 = arith.constant 0 : i32
        %add3A_544 = arith.addi %mul3A_190, %add3A_543 : i32
        %add3A_545 = arith.addi %add3A_544, %scan3A_501 : i32
        %get3A_546 = arith.index_cast %add3A_545 : i32 to index
        %get3A_547 = arith.constant 0 : index
        %get3A_548 = tpu.vector_load %arg9[%get3A_546, %get3A_547] {strides = array<i32>} : memref<256x128xf32, #tpu.memory_space<vmem>>, vector<16xf32>,
        %mul3A_549 = arith.mulf %select_n3A_542, %get3A_548 : vector<16xf32>
        %add3A_550 = arith.addf %scan3A_502, %mul3A_549 : vector<16xf32>
        %get3A_551 = arith.index_cast %add3A_545 : i32 to index
        %get3A_552 = arith.constant 16 : index
        %get3A_553 = tpu.vector_load %arg9[%get3A_551, %get3A_552] {strides = array<i32>} : memref<256x128xf32, #tpu.memory_space<vmem>>, vector<16xf32>,
        %mul3A_554 = arith.mulf %select_n3A_542, %get3A_553 : vector<16xf32>
        %add3A_555 = arith.addf %scan3A_503, %mul3A_554 : vector<16xf32>
        %get3A_556 = arith.index_cast %add3A_545 : i32 to index
        %get3A_557 = arith.constant 32 : index
        %get3A_558 = tpu.vector_load %arg9[%get3A_556, %get3A_557] {strides = array<i32>} : memref<256x128xf32, #tpu.memory_space<vmem>>, vector<16xf32>,
        %mul3A_559 = arith.mulf %select_n3A_542, %get3A_558 : vector<16xf32>
        %add3A_560 = arith.addf %scan3A_504, %mul3A_559 : vector<16xf32>
        %get3A_561 = arith.index_cast %add3A_545 : i32 to index
        %get3A_562 = arith.constant 48 : index
        %get3A_563 = tpu.vector_load %arg9[%get3A_561, %get3A_562] {strides = array<i32>} : memref<256x128xf32, #tpu.memory_space<vmem>>, vector<16xf32>,
        %mul3A_564 = arith.mulf %select_n3A_542, %get3A_563 : vector<16xf32>
        %add3A_565 = arith.addf %scan3A_505, %mul3A_564 : vector<16xf32>
        %get3A_566 = arith.index_cast %add3A_545 : i32 to index
        %get3A_567 = arith.constant 64 : index
        %get3A_568 = tpu.vector_load %arg9[%get3A_566, %get3A_567] {strides = array<i32>} : memref<256x128xf32, #tpu.memory_space<vmem>>, vector<16xf32>,
        %mul3A_569 = arith.mulf %select_n3A_542, %get3A_568 : vector<16xf32>
        %add3A_570 = arith.addf %scan3A_506, %mul3A_569 : vector<16xf32>
        %get3A_571 = arith.index_cast %add3A_545 : i32 to index
        %get3A_572 = arith.constant 80 : index
        %get3A_573 = tpu.vector_load %arg9[%get3A_571, %get3A_572] {strides = array<i32>} : memref<256x128xf32, #tpu.memory_space<vmem>>, vector<16xf32>,
        %mul3A_574 = arith.mulf %select_n3A_542, %get3A_573 : vector<16xf32>
        %add3A_575 = arith.addf %scan3A_507, %mul3A_574 : vector<16xf32>
        %get3A_576 = arith.index_cast %add3A_545 : i32 to index
        %get3A_577 = arith.constant 96 : index
        %get3A_578 = tpu.vector_load %arg9[%get3A_576, %get3A_577] {strides = array<i32>} : memref<256x128xf32, #tpu.memory_space<vmem>>, vector<16xf32>,
        %mul3A_579 = arith.mulf %select_n3A_542, %get3A_578 : vector<16xf32>
        %add3A_580 = arith.addf %scan3A_508, %mul3A_579 : vector<16xf32>
        %get3A_581 = arith.index_cast %add3A_545 : i32 to index
        %get3A_582 = arith.constant 112 : index
        %get3A_583 = tpu.vector_load %arg9[%get3A_581, %get3A_582] {strides = array<i32>} : memref<256x128xf32, #tpu.memory_space<vmem>>, vector<16xf32>,
        %mul3A_584 = arith.mulf %select_n3A_542, %get3A_583 : vector<16xf32>
        %add3A_585 = arith.addf %scan3A_509, %mul3A_584 : vector<16xf32>
        scf.yield %add3A_550, %add3A_555, %add3A_560, %add3A_565, %add3A_570, %add3A_575, %add3A_580, %add3A_585 : vector<16xf32>, vector<16xf32>, vector<16xf32>, vector<16xf32>, vector<16xf32>, vector<16xf32>, vector<16xf32>, vector<16xf32>
      }
      %scan3A_278 = arith.constant 32 : i32
      %mul3A_279 = arith.mulf %scan3A_277#0, %div3A_256 : vector<16xf32>
      %mul3A_280 = arith.constant 2 : i32
      %mul3A_281 = arith.muli %scan3A_134, %mul3A_280 : i32
      %add3A_282 = arith.constant 0 : i32
      %add3A_283 = arith.addi %mul3A_281, %add3A_282 : i32
      %swap3A = arith.index_cast %add3A_283 : i32 to index
      %swap3A_284 = arith.constant 0 : index
      %swap3A_285 = tpu.vector_load %arg8[%swap3A, %swap3A_284] {strides = array<i32>} : memref<320x128xf32, #tpu.memory_space<vmem>>, vector<16xf32>,
      tpu.vector_store %arg8[%swap3A, %swap3A_284], %mul3A_279 {strides = array<i32>} : memref<320x128xf32, #tpu.memory_space<vmem>>, vector<16xf32>,
      %mul3A_286 = arith.mulf %scan3A_277#1, %div3A_256 : vector<16xf32>
      %mul3A_287 = arith.constant 2 : i32
      %mul3A_288 = arith.muli %scan3A_134, %mul3A_287 : i32
      %add3A_289 = arith.constant 0 : i32
      %add3A_290 = arith.addi %mul3A_288, %add3A_289 : i32
      %swap3A_291 = arith.index_cast %add3A_290 : i32 to index
      %swap3A_292 = arith.constant 16 : index
      %swap3A_293 = tpu.vector_load %arg8[%swap3A_291, %swap3A_292] {strides = array<i32>} : memref<320x128xf32, #tpu.memory_space<vmem>>, vector<16xf32>,
      tpu.vector_store %arg8[%swap3A_291, %swap3A_292], %mul3A_286 {strides = array<i32>} : memref<320x128xf32, #tpu.memory_space<vmem>>, vector<16xf32>,
      %mul3A_294 = arith.mulf %scan3A_277#2, %div3A_256 : vector<16xf32>
      %mul3A_295 = arith.constant 2 : i32
      %mul3A_296 = arith.muli %scan3A_134, %mul3A_295 : i32
      %add3A_297 = arith.constant 0 : i32
      %add3A_298 = arith.addi %mul3A_296, %add3A_297 : i32
      %swap3A_299 = arith.index_cast %add3A_298 : i32 to index
      %swap3A_300 = arith.constant 32 : index
      %swap3A_301 = tpu.vector_load %arg8[%swap3A_299, %swap3A_300] {strides = array<i32>} : memref<320x128xf32, #tpu.memory_space<vmem>>, vector<16xf32>,
      tpu.vector_store %arg8[%swap3A_299, %swap3A_300], %mul3A_294 {strides = array<i32>} : memref<320x128xf32, #tpu.memory_space<vmem>>, vector<16xf32>,
      %mul3A_302 = arith.mulf %scan3A_277#3, %div3A_256 : vector<16xf32>
      %mul3A_303 = arith.constant 2 : i32
      %mul3A_304 = arith.muli %scan3A_134, %mul3A_303 : i32
      %add3A_305 = arith.constant 0 : i32
      %add3A_306 = arith.addi %mul3A_304, %add3A_305 : i32
      %swap3A_307 = arith.index_cast %add3A_306 : i32 to index
      %swap3A_308 = arith.constant 48 : index
      %swap3A_309 = tpu.vector_load %arg8[%swap3A_307, %swap3A_308] {strides = array<i32>} : memref<320x128xf32, #tpu.memory_space<vmem>>, vector<16xf32>,
      tpu.vector_store %arg8[%swap3A_307, %swap3A_308], %mul3A_302 {strides = array<i32>} : memref<320x128xf32, #tpu.memory_space<vmem>>, vector<16xf32>,
      %mul3A_310 = arith.mulf %scan3A_277#4, %div3A_256 : vector<16xf32>
      %mul3A_311 = arith.constant 2 : i32
      %mul3A_312 = arith.muli %scan3A_134, %mul3A_311 : i32
      %add3A_313 = arith.constant 0 : i32
      %add3A_314 = arith.addi %mul3A_312, %add3A_313 : i32
      %swap3A_315 = arith.index_cast %add3A_314 : i32 to index
      %swap3A_316 = arith.constant 64 : index
      %swap3A_317 = tpu.vector_load %arg8[%swap3A_315, %swap3A_316] {strides = array<i32>} : memref<320x128xf32, #tpu.memory_space<vmem>>, vector<16xf32>,
      tpu.vector_store %arg8[%swap3A_315, %swap3A_316], %mul3A_310 {strides = array<i32>} : memref<320x128xf32, #tpu.memory_space<vmem>>, vector<16xf32>,
      %mul3A_318 = arith.mulf %scan3A_277#5, %div3A_256 : vector<16xf32>
      %mul3A_319 = arith.constant 2 : i32
      %mul3A_320 = arith.muli %scan3A_134, %mul3A_319 : i32
      %add3A_321 = arith.constant 0 : i32
      %add3A_322 = arith.addi %mul3A_320, %add3A_321 : i32
      %swap3A_323 = arith.index_cast %add3A_322 : i32 to index
      %swap3A_324 = arith.constant 80 : index
      %swap3A_325 = tpu.vector_load %arg8[%swap3A_323, %swap3A_324] {strides = array<i32>} : memref<320x128xf32, #tpu.memory_space<vmem>>, vector<16xf32>,
      tpu.vector_store %arg8[%swap3A_323, %swap3A_324], %mul3A_318 {strides = array<i32>} : memref<320x128xf32, #tpu.memory_space<vmem>>, vector<16xf32>,
      %mul3A_326 = arith.mulf %scan3A_277#6, %div3A_256 : vector<16xf32>
      %mul3A_327 = arith.constant 2 : i32
      %mul3A_328 = arith.muli %scan3A_134, %mul3A_327 : i32
      %add3A_329 = arith.constant 0 : i32
      %add3A_330 = arith.addi %mul3A_328, %add3A_329 : i32
      %swap3A_331 = arith.index_cast %add3A_330 : i32 to index
      %swap3A_332 = arith.constant 96 : index
      %swap3A_333 = tpu.vector_load %arg8[%swap3A_331, %swap3A_332] {strides = array<i32>} : memref<320x128xf32, #tpu.memory_space<vmem>>, vector<16xf32>,
      tpu.vector_store %arg8[%swap3A_331, %swap3A_332], %mul3A_326 {strides = array<i32>} : memref<320x128xf32, #tpu.memory_space<vmem>>, vector<16xf32>,
      %mul3A_334 = arith.mulf %scan3A_277#7, %div3A_256 : vector<16xf32>
      %mul3A_335 = arith.constant 2 : i32
      %mul3A_336 = arith.muli %scan3A_134, %mul3A_335 : i32
      %add3A_337 = arith.constant 0 : i32
      %add3A_338 = arith.addi %mul3A_336, %add3A_337 : i32
      %swap3A_339 = arith.index_cast %add3A_338 : i32 to index
      %swap3A_340 = arith.constant 112 : index
      %swap3A_341 = tpu.vector_load %arg8[%swap3A_339, %swap3A_340] {strides = array<i32>} : memref<320x128xf32, #tpu.memory_space<vmem>>, vector<16xf32>,
      tpu.vector_store %arg8[%swap3A_339, %swap3A_340], %mul3A_334 {strides = array<i32>} : memref<320x128xf32, #tpu.memory_space<vmem>>, vector<16xf32>,
      %add3A_342 = arith.constant 32 : i32
      %add3A_343 = arith.addi %mul3A_190, %add3A_342 : i32
      %get3A_344 = arith.index_cast %add3A_343 : i32 to index
      %get3A_345 = tpu.vector_load %arg10[%get3A_344] {strides = array<i32>} : memref<256xf32, #tpu.memory_space<vmem>>, vector<16xf32>,
      %add3A_346 = arith.constant 32 : i32
      %add3A_347 = arith.addi %mul3A_190, %add3A_346 : i32
      %add3A_348 = arith.constant 16 : i32
      %add3A_349 = arith.addi %add3A_347, %add3A_348 : i32
      %get3A_350 = arith.index_cast %add3A_349 : i32 to index
      %get3A_351 = tpu.vector_load %arg10[%get3A_350] {strides = array<i32>} : memref<256xf32, #tpu.memory_space<vmem>>, vector<16xf32>,
      %add3A_352 = arith.addf %get3A_345, %get3A_351 : vector<16xf32>
      %xor3A_353 = arith.constant 8 : i32
      %xor3A_354 = vector.broadcast %xor3A_353 : i32 to vector<16xi32>
      %xor3A_355 = arith.xori %iota3A, %xor3A_354 : vector<16xi32>
      %lt3A_356 = arith.constant 0 : i32
      %lt3A_357 = vector.broadcast %lt3A_356 : i32 to vector<16xi32>
      %lt3A_358 = arith.cmpi slt, %xor3A_355, %lt3A_357 : vector<16xi32>
      %add3A_359 = arith.constant 16 : i32
      %add3A_360 = vector.broadcast %add3A_359 : i32 to vector<16xi32>
      %add3A_361 = arith.addi %xor3A_355, %add3A_360 : vector<16xi32>
      %select_n3A_362 = arith.select %lt3A_358, %add3A_361, %xor3A_355 : vector<16xi1>, vector<16xi32>
      %broadcast_in_dim3A_363 = vector.shape_cast %select_n3A_362 : vector<16xi32> to vector<16x1xi32>
      %gather3A_364 = vector.shape_cast %broadcast_in_dim3A_363 : vector<16x1xi32> to vector<16xi32>
      %gather3A_365 = tpu.dynamic_gather %add3A_352[%gather3A_364] in [0] : vector<16xf32>, vector<16xi32> -> vector<16xf32>
      %add3A_366 = arith.addf %add3A_352, %gather3A_365 : vector<16xf32>
      %xor3A_367 = arith.constant 4 : i32
      %xor3A_368 = vector.broadcast %xor3A_367 : i32 to vector<16xi32>
      %xor3A_369 = arith.xori %iota3A, %xor3A_368 : vector<16xi32>
      %lt3A_370 = arith.constant 0 : i32
      %lt3A_371 = vector.broadcast %lt3A_370 : i32 to vector<16xi32>
      %lt3A_372 = arith.cmpi slt, %xor3A_369, %lt3A_371 : vector<16xi32>
      %add3A_373 = arith.constant 16 : i32
      %add3A_374 = vector.broadcast %add3A_373 : i32 to vector<16xi32>
      %add3A_375 = arith.addi %xor3A_369, %add3A_374 : vector<16xi32>
      %select_n3A_376 = arith.select %lt3A_372, %add3A_375, %xor3A_369 : vector<16xi1>, vector<16xi32>
      %broadcast_in_dim3A_377 = vector.shape_cast %select_n3A_376 : vector<16xi32> to vector<16x1xi32>
      %gather3A_378 = vector.shape_cast %broadcast_in_dim3A_377 : vector<16x1xi32> to vector<16xi32>
      %gather3A_379 = tpu.dynamic_gather %add3A_366[%gather3A_378] in [0] : vector<16xf32>, vector<16xi32> -> vector<16xf32>
      %add3A_380 = arith.addf %add3A_366, %gather3A_379 : vector<16xf32>
      %xor3A_381 = arith.constant 2 : i32
      %xor3A_382 = vector.broadcast %xor3A_381 : i32 to vector<16xi32>
      %xor3A_383 = arith.xori %iota3A, %xor3A_382 : vector<16xi32>
      %lt3A_384 = arith.constant 0 : i32
      %lt3A_385 = vector.broadcast %lt3A_384 : i32 to vector<16xi32>
      %lt3A_386 = arith.cmpi slt, %xor3A_383, %lt3A_385 : vector<16xi32>
      %add3A_387 = arith.constant 16 : i32
      %add3A_388 = vector.broadcast %add3A_387 : i32 to vector<16xi32>
      %add3A_389 = arith.addi %xor3A_383, %add3A_388 : vector<16xi32>
      %select_n3A_390 = arith.select %lt3A_386, %add3A_389, %xor3A_383 : vector<16xi1>, vector<16xi32>
      %broadcast_in_dim3A_391 = vector.shape_cast %select_n3A_390 : vector<16xi32> to vector<16x1xi32>
      %gather3A_392 = vector.shape_cast %broadcast_in_dim3A_391 : vector<16x1xi32> to vector<16xi32>
      %gather3A_393 = tpu.dynamic_gather %add3A_380[%gather3A_392] in [0] : vector<16xf32>, vector<16xi32> -> vector<16xf32>
      %add3A_394 = arith.addf %add3A_380, %gather3A_393 : vector<16xf32>
      %xor3A_395 = arith.constant 1 : i32
      %xor3A_396 = vector.broadcast %xor3A_395 : i32 to vector<16xi32>
      %xor3A_397 = arith.xori %iota3A, %xor3A_396 : vector<16xi32>
      %lt3A_398 = arith.constant 0 : i32
      %lt3A_399 = vector.broadcast %lt3A_398 : i32 to vector<16xi32>
      %lt3A_400 = arith.cmpi slt, %xor3A_397, %lt3A_399 : vector<16xi32>
      %add3A_401 = arith.constant 16 : i32
      %add3A_402 = vector.broadcast %add3A_401 : i32 to vector<16xi32>
      %add3A_403 = arith.addi %xor3A_397, %add3A_402 : vector<16xi32>
      %select_n3A_404 = arith.select %lt3A_400, %add3A_403, %xor3A_397 : vector<16xi1>, vector<16xi32>
      %broadcast_in_dim3A_405 = vector.shape_cast %select_n3A_404 : vector<16xi32> to vector<16x1xi32>
      %gather3A_406 = vector.shape_cast %broadcast_in_dim3A_405 : vector<16x1xi32> to vector<16xi32>
      %gather3A_407 = tpu.dynamic_gather %add3A_394[%gather3A_406] in [0] : vector<16xf32>, vector<16xi32> -> vector<16xf32>
      %add3A_408 = arith.addf %add3A_394, %gather3A_407 : vector<16xf32>
      %add3A_409 = arith.constant 9.99999997E-7 : f32
      %add3A_410 = vector.broadcast %add3A_409 : f32 to vector<16xf32>
      %add3A_411 = arith.addf %add3A_408, %add3A_410 : vector<16xf32>
      %div3A_412 = arith.constant 1.000000e+00 : f32
      %div3A_413 = vector.broadcast %div3A_412 : f32 to vector<16xf32>
      %div3A_414 = arith.divf %div3A_413, %add3A_411 : vector<16xf32>
      %broadcast_in_dim3A_415 = arith.constant 0.000000e+00 : f32
      %broadcast_in_dim3A_416 = vector.broadcast %broadcast_in_dim3A_415 : f32 to vector<16xf32>
      %broadcast_in_dim3A_417 = arith.constant 0.000000e+00 : f32
      %broadcast_in_dim3A_418 = vector.broadcast %broadcast_in_dim3A_417 : f32 to vector<16xf32>
      %broadcast_in_dim3A_419 = arith.constant 0.000000e+00 : f32
      %broadcast_in_dim3A_420 = vector.broadcast %broadcast_in_dim3A_419 : f32 to vector<16xf32>
      %broadcast_in_dim3A_421 = arith.constant 0.000000e+00 : f32
      %broadcast_in_dim3A_422 = vector.broadcast %broadcast_in_dim3A_421 : f32 to vector<16xf32>
      %broadcast_in_dim3A_423 = arith.constant 0.000000e+00 : f32
      %broadcast_in_dim3A_424 = vector.broadcast %broadcast_in_dim3A_423 : f32 to vector<16xf32>
      %broadcast_in_dim3A_425 = arith.constant 0.000000e+00 : f32
      %broadcast_in_dim3A_426 = vector.broadcast %broadcast_in_dim3A_425 : f32 to vector<16xf32>
      %broadcast_in_dim3A_427 = arith.constant 0.000000e+00 : f32
      %broadcast_in_dim3A_428 = vector.broadcast %broadcast_in_dim3A_427 : f32 to vector<16xf32>
      %broadcast_in_dim3A_429 = arith.constant 0.000000e+00 : f32
      %broadcast_in_dim3A_430 = vector.broadcast %broadcast_in_dim3A_429 : f32 to vector<16xf32>
      %scan3A_431 = arith.constant 0 : i32
      %scan3A_432 = arith.constant 32 : i32
      %scan3A_433 = arith.addi %scan3A_431, %scan3A_432 : i32
      %scan3A_434 = arith.constant 1 : i32
      %scan3A_435:8 = scf.for %scan3A_501 = %scan3A_431 to %scan3A_433 step %scan3A_434 iter_args(%scan3A_502 = %broadcast_in_dim3A_416, %scan3A_503 = %broadcast_in_dim3A_418, %scan3A_504 = %broadcast_in_dim3A_420, %scan3A_505 = %broadcast_in_dim3A_422, %scan3A_506 = %broadcast_in_dim3A_424, %scan3A_507 = %broadcast_in_dim3A_426, %scan3A_508 = %broadcast_in_dim3A_428, %scan3A_509 = %broadcast_in_dim3A_430) -> (vector<16xf32>, vector<16xf32>, vector<16xf32>, vector<16xf32>, vector<16xf32>, vector<16xf32>, vector<16xf32>, vector<16xf32>)  : i32 {
        %and3A_510 = arith.constant 15 : i32
        %and3A_511 = arith.andi %scan3A_501, %and3A_510 : i32
        %lt3A_512 = arith.constant 16 : i32
        %lt3A_513 = arith.cmpi slt, %scan3A_501, %lt3A_512 : i32
        %broadcast_in_dim3A_514 = arith.constant 0 : i32
        %broadcast_in_dim3A_515 = vector.broadcast %broadcast_in_dim3A_514 : i32 to vector<16xi32>
        %add3A_516 = vector.broadcast %and3A_511 : i32 to vector<16xi32>
        %add3A_517 = arith.addi %broadcast_in_dim3A_515, %add3A_516 : vector<16xi32>
        %lt3A_518 = arith.constant 0 : i32
        %lt3A_519 = vector.broadcast %lt3A_518 : i32 to vector<16xi32>
        %lt3A_520 = arith.cmpi slt, %add3A_517, %lt3A_519 : vector<16xi32>
        %add3A_521 = arith.constant 16 : i32
        %add3A_522 = vector.broadcast %add3A_521 : i32 to vector<16xi32>
        %add3A_523 = arith.addi %add3A_517, %add3A_522 : vector<16xi32>
        %select_n3A_524 = arith.select %lt3A_520, %add3A_523, %add3A_517 : vector<16xi1>, vector<16xi32>
        %broadcast_in_dim3A_525 = vector.shape_cast %select_n3A_524 : vector<16xi32> to vector<16x1xi32>
        %gather3A_526 = vector.shape_cast %broadcast_in_dim3A_525 : vector<16x1xi32> to vector<16xi32>
        %gather3A_527 = tpu.dynamic_gather %get3A_345[%gather3A_526] in [0] : vector<16xf32>, vector<16xi32> -> vector<16xf32>
        %broadcast_in_dim3A_528 = arith.constant 0 : i32
        %broadcast_in_dim3A_529 = vector.broadcast %broadcast_in_dim3A_528 : i32 to vector<16xi32>
        %add3A_530 = vector.broadcast %and3A_511 : i32 to vector<16xi32>
        %add3A_531 = arith.addi %broadcast_in_dim3A_529, %add3A_530 : vector<16xi32>
        %lt3A_532 = arith.constant 0 : i32
        %lt3A_533 = vector.broadcast %lt3A_532 : i32 to vector<16xi32>
        %lt3A_534 = arith.cmpi slt, %add3A_531, %lt3A_533 : vector<16xi32>
        %add3A_535 = arith.constant 16 : i32
        %add3A_536 = vector.broadcast %add3A_535 : i32 to vector<16xi32>
        %add3A_537 = arith.addi %add3A_531, %add3A_536 : vector<16xi32>
        %select_n3A_538 = arith.select %lt3A_534, %add3A_537, %add3A_531 : vector<16xi1>, vector<16xi32>
        %broadcast_in_dim3A_539 = vector.shape_cast %select_n3A_538 : vector<16xi32> to vector<16x1xi32>
        %gather3A_540 = vector.shape_cast %broadcast_in_dim3A_539 : vector<16x1xi32> to vector<16xi32>
        %gather3A_541 = tpu.dynamic_gather %get3A_351[%gather3A_540] in [0] : vector<16xf32>, vector<16xi32> -> vector<16xf32>
        %select_n3A_542 = arith.select %lt3A_513, %gather3A_527, %gather3A_541 : vector<16xf32>
        %add3A_543 = arith.constant 32 : i32
        %add3A_544 = arith.addi %mul3A_190, %add3A_543 : i32
        %add3A_545 = arith.addi %add3A_544, %scan3A_501 : i32
        %get3A_546 = arith.index_cast %add3A_545 : i32 to index
        %get3A_547 = arith.constant 0 : index
        %get3A_548 = tpu.vector_load %arg9[%get3A_546, %get3A_547] {strides = array<i32>} : memref<256x128xf32, #tpu.memory_space<vmem>>, vector<16xf32>,
        %mul3A_549 = arith.mulf %select_n3A_542, %get3A_548 : vector<16xf32>
        %add3A_550 = arith.addf %scan3A_502, %mul3A_549 : vector<16xf32>
        %get3A_551 = arith.index_cast %add3A_545 : i32 to index
        %get3A_552 = arith.constant 16 : index
        %get3A_553 = tpu.vector_load %arg9[%get3A_551, %get3A_552] {strides = array<i32>} : memref<256x128xf32, #tpu.memory_space<vmem>>, vector<16xf32>,
        %mul3A_554 = arith.mulf %select_n3A_542, %get3A_553 : vector<16xf32>
        %add3A_555 = arith.addf %scan3A_503, %mul3A_554 : vector<16xf32>
        %get3A_556 = arith.index_cast %add3A_545 : i32 to index
        %get3A_557 = arith.constant 32 : index
        %get3A_558 = tpu.vector_load %arg9[%get3A_556, %get3A_557] {strides = array<i32>} : memref<256x128xf32, #tpu.memory_space<vmem>>, vector<16xf32>,
        %mul3A_559 = arith.mulf %select_n3A_542, %get3A_558 : vector<16xf32>
        %add3A_560 = arith.addf %scan3A_504, %mul3A_559 : vector<16xf32>
        %get3A_561 = arith.index_cast %add3A_545 : i32 to index
        %get3A_562 = arith.constant 48 : index
        %get3A_563 = tpu.vector_load %arg9[%get3A_561, %get3A_562] {strides = array<i32>} : memref<256x128xf32, #tpu.memory_space<vmem>>, vector<16xf32>,
        %mul3A_564 = arith.mulf %select_n3A_542, %get3A_563 : vector<16xf32>
        %add3A_565 = arith.addf %scan3A_505, %mul3A_564 : vector<16xf32>
        %get3A_566 = arith.index_cast %add3A_545 : i32 to index
        %get3A_567 = arith.constant 64 : index
        %get3A_568 = tpu.vector_load %arg9[%get3A_566, %get3A_567] {strides = array<i32>} : memref<256x128xf32, #tpu.memory_space<vmem>>, vector<16xf32>,
        %mul3A_569 = arith.mulf %select_n3A_542, %get3A_568 : vector<16xf32>
        %add3A_570 = arith.addf %scan3A_506, %mul3A_569 : vector<16xf32>
        %get3A_571 = arith.index_cast %add3A_545 : i32 to index
        %get3A_572 = arith.constant 80 : index
        %get3A_573 = tpu.vector_load %arg9[%get3A_571, %get3A_572] {strides = array<i32>} : memref<256x128xf32, #tpu.memory_space<vmem>>, vector<16xf32>,
        %mul3A_574 = arith.mulf %select_n3A_542, %get3A_573 : vector<16xf32>
        %add3A_575 = arith.addf %scan3A_507, %mul3A_574 : vector<16xf32>
        %get3A_576 = arith.index_cast %add3A_545 : i32 to index
        %get3A_577 = arith.constant 96 : index
        %get3A_578 = tpu.vector_load %arg9[%get3A_576, %get3A_577] {strides = array<i32>} : memref<256x128xf32, #tpu.memory_space<vmem>>, vector<16xf32>,
        %mul3A_579 = arith.mulf %select_n3A_542, %get3A_578 : vector<16xf32>
        %add3A_580 = arith.addf %scan3A_508, %mul3A_579 : vector<16xf32>
        %get3A_581 = arith.index_cast %add3A_545 : i32 to index
        %get3A_582 = arith.constant 112 : index
        %get3A_583 = tpu.vector_load %arg9[%get3A_581, %get3A_582] {strides = array<i32>} : memref<256x128xf32, #tpu.memory_space<vmem>>, vector<16xf32>,
        %mul3A_584 = arith.mulf %select_n3A_542, %get3A_583 : vector<16xf32>
        %add3A_585 = arith.addf %scan3A_509, %mul3A_584 : vector<16xf32>
        scf.yield %add3A_550, %add3A_555, %add3A_560, %add3A_565, %add3A_570, %add3A_575, %add3A_580, %add3A_585 : vector<16xf32>, vector<16xf32>, vector<16xf32>, vector<16xf32>, vector<16xf32>, vector<16xf32>, vector<16xf32>, vector<16xf32>
      }
      %scan3A_436 = arith.constant 32 : i32
      %mul3A_437 = arith.mulf %scan3A_435#0, %div3A_414 : vector<16xf32>
      %mul3A_438 = arith.constant 2 : i32
      %mul3A_439 = arith.muli %scan3A_134, %mul3A_438 : i32
      %add3A_440 = arith.constant 1 : i32
      %add3A_441 = arith.addi %mul3A_439, %add3A_440 : i32
      %swap3A_442 = arith.index_cast %add3A_441 : i32 to index
      %swap3A_443 = arith.constant 0 : index
      %swap3A_444 = tpu.vector_load %arg8[%swap3A_442, %swap3A_443] {strides = array<i32>} : memref<320x128xf32, #tpu.memory_space<vmem>>, vector<16xf32>,
      tpu.vector_store %arg8[%swap3A_442, %swap3A_443], %mul3A_437 {strides = array<i32>} : memref<320x128xf32, #tpu.memory_space<vmem>>, vector<16xf32>,
      %mul3A_445 = arith.mulf %scan3A_435#1, %div3A_414 : vector<16xf32>
      %mul3A_446 = arith.constant 2 : i32
      %mul3A_447 = arith.muli %scan3A_134, %mul3A_446 : i32
      %add3A_448 = arith.constant 1 : i32
      %add3A_449 = arith.addi %mul3A_447, %add3A_448 : i32
      %swap3A_450 = arith.index_cast %add3A_449 : i32 to index
      %swap3A_451 = arith.constant 16 : index
      %swap3A_452 = tpu.vector_load %arg8[%swap3A_450, %swap3A_451] {strides = array<i32>} : memref<320x128xf32, #tpu.memory_space<vmem>>, vector<16xf32>,
      tpu.vector_store %arg8[%swap3A_450, %swap3A_451], %mul3A_445 {strides = array<i32>} : memref<320x128xf32, #tpu.memory_space<vmem>>, vector<16xf32>,
      %mul3A_453 = arith.mulf %scan3A_435#2, %div3A_414 : vector<16xf32>
      %mul3A_454 = arith.constant 2 : i32
      %mul3A_455 = arith.muli %scan3A_134, %mul3A_454 : i32
      %add3A_456 = arith.constant 1 : i32
      %add3A_457 = arith.addi %mul3A_455, %add3A_456 : i32
      %swap3A_458 = arith.index_cast %add3A_457 : i32 to index
      %swap3A_459 = arith.constant 32 : index
      %swap3A_460 = tpu.vector_load %arg8[%swap3A_458, %swap3A_459] {strides = array<i32>} : memref<320x128xf32, #tpu.memory_space<vmem>>, vector<16xf32>,
      tpu.vector_store %arg8[%swap3A_458, %swap3A_459], %mul3A_453 {strides = array<i32>} : memref<320x128xf32, #tpu.memory_space<vmem>>, vector<16xf32>,
      %mul3A_461 = arith.mulf %scan3A_435#3, %div3A_414 : vector<16xf32>
      %mul3A_462 = arith.constant 2 : i32
      %mul3A_463 = arith.muli %scan3A_134, %mul3A_462 : i32
      %add3A_464 = arith.constant 1 : i32
      %add3A_465 = arith.addi %mul3A_463, %add3A_464 : i32
      %swap3A_466 = arith.index_cast %add3A_465 : i32 to index
      %swap3A_467 = arith.constant 48 : index
      %swap3A_468 = tpu.vector_load %arg8[%swap3A_466, %swap3A_467] {strides = array<i32>} : memref<320x128xf32, #tpu.memory_space<vmem>>, vector<16xf32>,
      tpu.vector_store %arg8[%swap3A_466, %swap3A_467], %mul3A_461 {strides = array<i32>} : memref<320x128xf32, #tpu.memory_space<vmem>>, vector<16xf32>,
      %mul3A_469 = arith.mulf %scan3A_435#4, %div3A_414 : vector<16xf32>
      %mul3A_470 = arith.constant 2 : i32
      %mul3A_471 = arith.muli %scan3A_134, %mul3A_470 : i32
      %add3A_472 = arith.constant 1 : i32
      %add3A_473 = arith.addi %mul3A_471, %add3A_472 : i32
      %swap3A_474 = arith.index_cast %add3A_473 : i32 to index
      %swap3A_475 = arith.constant 64 : index
      %swap3A_476 = tpu.vector_load %arg8[%swap3A_474, %swap3A_475] {strides = array<i32>} : memref<320x128xf32, #tpu.memory_space<vmem>>, vector<16xf32>,
      tpu.vector_store %arg8[%swap3A_474, %swap3A_475], %mul3A_469 {strides = array<i32>} : memref<320x128xf32, #tpu.memory_space<vmem>>, vector<16xf32>,
      %mul3A_477 = arith.mulf %scan3A_435#5, %div3A_414 : vector<16xf32>
      %mul3A_478 = arith.constant 2 : i32
      %mul3A_479 = arith.muli %scan3A_134, %mul3A_478 : i32
      %add3A_480 = arith.constant 1 : i32
      %add3A_481 = arith.addi %mul3A_479, %add3A_480 : i32
      %swap3A_482 = arith.index_cast %add3A_481 : i32 to index
      %swap3A_483 = arith.constant 80 : index
      %swap3A_484 = tpu.vector_load %arg8[%swap3A_482, %swap3A_483] {strides = array<i32>} : memref<320x128xf32, #tpu.memory_space<vmem>>, vector<16xf32>,
      tpu.vector_store %arg8[%swap3A_482, %swap3A_483], %mul3A_477 {strides = array<i32>} : memref<320x128xf32, #tpu.memory_space<vmem>>, vector<16xf32>,
      %mul3A_485 = arith.mulf %scan3A_435#6, %div3A_414 : vector<16xf32>
      %mul3A_486 = arith.constant 2 : i32
      %mul3A_487 = arith.muli %scan3A_134, %mul3A_486 : i32
      %add3A_488 = arith.constant 1 : i32
      %add3A_489 = arith.addi %mul3A_487, %add3A_488 : i32
      %swap3A_490 = arith.index_cast %add3A_489 : i32 to index
      %swap3A_491 = arith.constant 96 : index
      %swap3A_492 = tpu.vector_load %arg8[%swap3A_490, %swap3A_491] {strides = array<i32>} : memref<320x128xf32, #tpu.memory_space<vmem>>, vector<16xf32>,
      tpu.vector_store %arg8[%swap3A_490, %swap3A_491], %mul3A_485 {strides = array<i32>} : memref<320x128xf32, #tpu.memory_space<vmem>>, vector<16xf32>,
      %mul3A_493 = arith.mulf %scan3A_435#7, %div3A_414 : vector<16xf32>
      %mul3A_494 = arith.constant 2 : i32
      %mul3A_495 = arith.muli %scan3A_134, %mul3A_494 : i32
      %add3A_496 = arith.constant 1 : i32
      %add3A_497 = arith.addi %mul3A_495, %add3A_496 : i32
      %swap3A_498 = arith.index_cast %add3A_497 : i32 to index
      %swap3A_499 = arith.constant 112 : index
      %swap3A_500 = tpu.vector_load %arg8[%swap3A_498, %swap3A_499] {strides = array<i32>} : memref<320x128xf32, #tpu.memory_space<vmem>>, vector<16xf32>,
      tpu.vector_store %arg8[%swap3A_498, %swap3A_499], %mul3A_493 {strides = array<i32>} : memref<320x128xf32, #tpu.memory_space<vmem>>, vector<16xf32>,
    }
    %scan3A_74 = arith.constant 160 : i32
    %dma_wait3A = arith.constant 0 : i32
    %dma_wait3A_75 = arith.constant 0 : i32
    %dma_wait3A_76 = arith.constant 0 : i32
    %dma_wait3A_77 = tpu.memref_slice %arg9[%dma_wait3A_75, %dma_wait3A_76] : memref<256x128xf32, #tpu.memory_space<vmem>> -> memref<64x128xf32, #tpu.memory_space<vmem>>
    %dma_wait3A_78 = arith.constant 10176 : i32
    %dma_wait3A_79 = tpu.memref_slice %arg6[%dma_wait3A_78] : memref<10240xi32, #tpu.memory_space<vmem>> -> memref<64xi32, #tpu.memory_space<vmem>>
    %dma_wait3A_80 = arith.constant 0 : i32
    %dma_wait3A_81 = arith.constant 0 : i32
    %dma_wait3A_82 = tpu.memref_slice %arg4[%dma_wait3A_80, %dma_wait3A_81] : memref<10000x128xf32, #tpu.memory_space<hbm>> -> memref<10000x128xf32, #tpu.memory_space<hbm>>
    %dma_wait3A_83 = tpu.memref_slice %arg11[%dma_wait3A] : memref<4x!tpu.dma_semaphore, #tpu.memory_space<semaphore_mem>> -> memref<1x!tpu.dma_semaphore, #tpu.memory_space<semaphore_mem>>
    %dma_wait3A_84 = tpu.memref_squeeze %dma_wait3A_83 : memref<1x!tpu.dma_semaphore, #tpu.memory_space<semaphore_mem>> -> memref<!tpu.dma_semaphore, #tpu.memory_space<semaphore_mem>>
    tpu.wait_indirect_dma semaphore(%dma_wait3A_84 : memref<!tpu.dma_semaphore, #tpu.memory_space<semaphore_mem>>) src(%dma_wait3A_82 : memref<10000x128xf32, #tpu.memory_space<hbm>>) dst(%dma_wait3A_77 : memref<64x128xf32, #tpu.memory_space<vmem>>)
    %dma_wait3A_85 = arith.constant 0 : i32
    %dma_wait3A_86 = arith.constant 0 : i32
    %dma_wait3A_87 = tpu.memref_slice %arg10[%dma_wait3A_86] : memref<256xf32, #tpu.memory_space<vmem>> -> memref<64xf32, #tpu.memory_space<vmem>>
    %dma_wait3A_88 = arith.constant 10176 : i32
    %dma_wait3A_89 = tpu.memref_slice %arg7[%dma_wait3A_88] : memref<10240xi32, #tpu.memory_space<vmem>> -> memref<64xi32, #tpu.memory_space<vmem>>
    %dma_wait3A_90 = arith.constant 0 : i32
    %dma_wait3A_91 = tpu.memref_slice %arg3[%dma_wait3A_90] : memref<100000000xf32, #tpu.memory_space<hbm>> -> memref<100000000xf32, #tpu.memory_space<hbm>>
    %dma_wait3A_92 = tpu.memref_slice %arg12[%dma_wait3A_85] : memref<4x!tpu.dma_semaphore, #tpu.memory_space<semaphore_mem>> -> memref<1x!tpu.dma_semaphore, #tpu.memory_space<semaphore_mem>>
    %dma_wait3A_93 = tpu.memref_squeeze %dma_wait3A_92 : memref<1x!tpu.dma_semaphore, #tpu.memory_space<semaphore_mem>> -> memref<!tpu.dma_semaphore, #tpu.memory_space<semaphore_mem>>
    tpu.wait_indirect_dma semaphore(%dma_wait3A_93 : memref<!tpu.dma_semaphore, #tpu.memory_space<semaphore_mem>>) src(%dma_wait3A_91 : memref<100000000xf32, #tpu.memory_space<hbm>>) dst(%dma_wait3A_87 : memref<64xf32, #tpu.memory_space<vmem>>)
    %dma_wait3A_94 = arith.constant 1 : i32
    %dma_wait3A_95 = arith.constant 64 : i32
    %dma_wait3A_96 = arith.constant 0 : i32
    %dma_wait3A_97 = tpu.memref_slice %arg9[%dma_wait3A_95, %dma_wait3A_96] : memref<256x128xf32, #tpu.memory_space<vmem>> -> memref<64x128xf32, #tpu.memory_space<vmem>>
    %dma_wait3A_98 = arith.constant 10176 : i32
    %dma_wait3A_99 = tpu.memref_slice %arg6[%dma_wait3A_98] : memref<10240xi32, #tpu.memory_space<vmem>> -> memref<64xi32, #tpu.memory_space<vmem>>
    %dma_wait3A_100 = arith.constant 0 : i32
    %dma_wait3A_101 = arith.constant 0 : i32
    %dma_wait3A_102 = tpu.memref_slice %arg4[%dma_wait3A_100, %dma_wait3A_101] : memref<10000x128xf32, #tpu.memory_space<hbm>> -> memref<10000x128xf32, #tpu.memory_space<hbm>>
    %dma_wait3A_103 = tpu.memref_slice %arg11[%dma_wait3A_94] : memref<4x!tpu.dma_semaphore, #tpu.memory_space<semaphore_mem>> -> memref<1x!tpu.dma_semaphore, #tpu.memory_space<semaphore_mem>>
    %dma_wait3A_104 = tpu.memref_squeeze %dma_wait3A_103 : memref<1x!tpu.dma_semaphore, #tpu.memory_space<semaphore_mem>> -> memref<!tpu.dma_semaphore, #tpu.memory_space<semaphore_mem>>
    tpu.wait_indirect_dma semaphore(%dma_wait3A_104 : memref<!tpu.dma_semaphore, #tpu.memory_space<semaphore_mem>>) src(%dma_wait3A_102 : memref<10000x128xf32, #tpu.memory_space<hbm>>) dst(%dma_wait3A_97 : memref<64x128xf32, #tpu.memory_space<vmem>>)
    %dma_wait3A_105 = arith.constant 1 : i32
    %dma_wait3A_106 = arith.constant 64 : i32
    %dma_wait3A_107 = tpu.memref_slice %arg10[%dma_wait3A_106] : memref<256xf32, #tpu.memory_space<vmem>> -> memref<64xf32, #tpu.memory_space<vmem>>
    %dma_wait3A_108 = arith.constant 10176 : i32
    %dma_wait3A_109 = tpu.memref_slice %arg7[%dma_wait3A_108] : memref<10240xi32, #tpu.memory_space<vmem>> -> memref<64xi32, #tpu.memory_space<vmem>>
    %dma_wait3A_110 = arith.constant 0 : i32
    %dma_wait3A_111 = tpu.memref_slice %arg3[%dma_wait3A_110] : memref<100000000xf32, #tpu.memory_space<hbm>> -> memref<100000000xf32, #tpu.memory_space<hbm>>
    %dma_wait3A_112 = tpu.memref_slice %arg12[%dma_wait3A_105] : memref<4x!tpu.dma_semaphore, #tpu.memory_space<semaphore_mem>> -> memref<1x!tpu.dma_semaphore, #tpu.memory_space<semaphore_mem>>
    %dma_wait3A_113 = tpu.memref_squeeze %dma_wait3A_112 : memref<1x!tpu.dma_semaphore, #tpu.memory_space<semaphore_mem>> -> memref<!tpu.dma_semaphore, #tpu.memory_space<semaphore_mem>>
    tpu.wait_indirect_dma semaphore(%dma_wait3A_113 : memref<!tpu.dma_semaphore, #tpu.memory_space<semaphore_mem>>) src(%dma_wait3A_111 : memref<100000000xf32, #tpu.memory_space<hbm>>) dst(%dma_wait3A_107 : memref<64xf32, #tpu.memory_space<vmem>>)
    %dma_wait3A_114 = arith.constant 2 : i32
    %dma_wait3A_115 = arith.constant 128 : i32
    %dma_wait3A_116 = arith.constant 0 : i32
    %dma_wait3A_117 = tpu.memref_slice %arg9[%dma_wait3A_115, %dma_wait3A_116] : memref<256x128xf32, #tpu.memory_space<vmem>> -> memref<64x128xf32, #tpu.memory_space<vmem>>
    %dma_wait3A_118 = arith.constant 10176 : i32
    %dma_wait3A_119 = tpu.memref_slice %arg6[%dma_wait3A_118] : memref<10240xi32, #tpu.memory_space<vmem>> -> memref<64xi32, #tpu.memory_space<vmem>>
    %dma_wait3A_120 = arith.constant 0 : i32
    %dma_wait3A_121 = arith.constant 0 : i32
    %dma_wait3A_122 = tpu.memref_slice %arg4[%dma_wait3A_120, %dma_wait3A_121] : memref<10000x128xf32, #tpu.memory_space<hbm>> -> memref<10000x128xf32, #tpu.memory_space<hbm>>
    %dma_wait3A_123 = tpu.memref_slice %arg11[%dma_wait3A_114] : memref<4x!tpu.dma_semaphore, #tpu.memory_space<semaphore_mem>> -> memref<1x!tpu.dma_semaphore, #tpu.memory_space<semaphore_mem>>
    %dma_wait3A_124 = tpu.memref_squeeze %dma_wait3A_123 : memref<1x!tpu.dma_semaphore, #tpu.memory_space<semaphore_mem>> -> memref<!tpu.dma_semaphore, #tpu.memory_space<semaphore_mem>>
    tpu.wait_indirect_dma semaphore(%dma_wait3A_124 : memref<!tpu.dma_semaphore, #tpu.memory_space<semaphore_mem>>) src(%dma_wait3A_122 : memref<10000x128xf32, #tpu.memory_space<hbm>>) dst(%dma_wait3A_117 : memref<64x128xf32, #tpu.memory_space<vmem>>)
    %dma_wait3A_125 = arith.constant 2 : i32
    %dma_wait3A_126 = arith.constant 128 : i32
    %dma_wait3A_127 = tpu.memref_slice %arg10[%dma_wait3A_126] : memref<256xf32, #tpu.memory_space<vmem>> -> memref<64xf32, #tpu.memory_space<vmem>>
    %dma_wait3A_128 = arith.constant 10176 : i32
    %dma_wait3A_129 = tpu.memref_slice %arg7[%dma_wait3A_128] : memref<10240xi32, #tpu.memory_space<vmem>> -> memref<64xi32, #tpu.memory_space<vmem>>
    %dma_wait3A_130 = arith.constant 0 : i32
    %dma_wait3A_131 = tpu.memref_slice %arg3[%dma_wait3A_130] : memref<100000000xf32, #tpu.memory_space<hbm>> -> memref<100000000xf32, #tpu.memory_space<hbm>>
    %dma_wait3A_132 = tpu.memref_slice %arg12[%dma_wait3A_125] : memref<4x!tpu.dma_semaphore, #tpu.memory_space<semaphore_mem>> -> memref<1x!tpu.dma_semaphore, #tpu.memory_space<semaphore_mem>>
    %dma_wait3A_133 = tpu.memref_squeeze %dma_wait3A_132 : memref<1x!tpu.dma_semaphore, #tpu.memory_space<semaphore_mem>> -> memref<!tpu.dma_semaphore, #tpu.memory_space<semaphore_mem>>
    tpu.wait_indirect_dma semaphore(%dma_wait3A_133 : memref<!tpu.dma_semaphore, #tpu.memory_space<semaphore_mem>>) src(%dma_wait3A_131 : memref<100000000xf32, #tpu.memory_space<hbm>>) dst(%dma_wait3A_127 : memref<64xf32, #tpu.memory_space<vmem>>)
    "tpu.region"() ({
      %run_scoped3A = tpu.sem_alloc : memref<!tpu.dma_semaphore, #tpu.memory_space<semaphore_mem>>
      %dma_start3A_134 = arith.constant 0 : i32
      %dma_start3A_135 = tpu.memref_slice %arg5[%mul3A_2, %dma_start3A_134] : memref<10240x128xf32, #tpu.memory_space<hbm>> -> memref<320x128xf32, #tpu.memory_space<hbm>>
      %dma_start3A_136 = arith.constant 0 : i32
      %dma_start3A_137 = tpu.memref_slice %arg5[%mul3A_2, %dma_start3A_136] : memref<10240x128xf32, #tpu.memory_space<hbm>> -> memref<320x128xf32, #tpu.memory_space<hbm>>
      tpu.enqueue_dma source(%arg8 : memref<320x128xf32, #tpu.memory_space<vmem>>) target(%dma_start3A_137 : memref<320x128xf32, #tpu.memory_space<hbm>>) target_semaphore(%run_scoped3A : memref<!tpu.dma_semaphore, #tpu.memory_space<semaphore_mem>>)
      %dma_wait3A_138 = arith.constant 0 : i32
      %dma_wait3A_139 = tpu.memref_slice %arg5[%mul3A_2, %dma_wait3A_138] : memref<10240x128xf32, #tpu.memory_space<hbm>> -> memref<320x128xf32, #tpu.memory_space<hbm>>
      %dma_wait3A_140 = arith.constant 0 : i32
      %dma_wait3A_141 = tpu.memref_slice %arg5[%mul3A_2, %dma_wait3A_140] : memref<10240x128xf32, #tpu.memory_space<hbm>> -> memref<320x128xf32, #tpu.memory_space<hbm>>
      tpu.wait_dma2 semaphore(%run_scoped3A : memref<!tpu.dma_semaphore, #tpu.memory_space<semaphore_mem>>) src(%arg8 : memref<320x128xf32, #tpu.memory_space<vmem>>) dst(%dma_wait3A_141 : memref<320x128xf32, #tpu.memory_space<hbm>>)
      tpu.yield
    }) : () -> ()
    return
  }
}

module attributes {stable_mosaic.version = 14 : i64} {
  func.func @_tc_pre_body(%arg0: i32, %arg1: memref<1000x128xf32, #tpu.memory_space<vmem>>, %arg2: memref<128x128xf32, #tpu.memory_space<vmem>>, %arg3: memref<1x128xf32, #tpu.memory_space<vmem>>, %arg4: memref<128x128xf32, #tpu.memory_space<vmem>>, %arg5: memref<1x128xf32, #tpu.memory_space<vmem>>, %arg6: memref<1000x128xf32, #tpu.memory_space<vmem>>, %arg7: memref<1000x128xf32, #tpu.memory_space<vmem>>) attributes {dimension_semantics = [#tpu.dimension_semantics<arbitrary>], iteration_bounds = array<i64: 10>, scalar_prefetch = 0 : i64, scratch_operands = 0 : i64, tpu.core_type = #tpu.core_type<tc>, window_params = [{transform_indices = @transform_0, window_bounds = array<i64: 1000, 128>}, {pipeline_mode = #tpu.pipeline_mode<synchronous>, transform_indices = @transform_1, window_bounds = array<i64: 128, 128>}, {pipeline_mode = #tpu.pipeline_mode<synchronous>, transform_indices = @transform_2, window_bounds = array<i64: 1, 128>}, {pipeline_mode = #tpu.pipeline_mode<synchronous>, transform_indices = @transform_3, window_bounds = array<i64: 128, 128>}, {pipeline_mode = #tpu.pipeline_mode<synchronous>, transform_indices = @transform_4, window_bounds = array<i64: 1, 128>}, {transform_indices = @transform_5, window_bounds = array<i64: 1000, 128>}, {transform_indices = @transform_6, window_bounds = array<i64: 1000, 128>}]} {
    %get3A = arith.constant 0 : index
    %get3A_0 = arith.constant 0 : index
    %get3A_1 = vector.load %arg1[%get3A, %get3A_0] : memref<1000x128xf32, #tpu.memory_space<vmem>>, vector<1000x128xf32>
    %get3A_2 = arith.constant 0 : index
    %get3A_3 = arith.constant 0 : index
    %get3A_4 = vector.load %arg2[%get3A_2, %get3A_3] : memref<128x128xf32, #tpu.memory_space<vmem>>, vector<128x128xf32>
    %dot_general3A = arith.constant dense<0.000000e+00> : vector<1000x128xf32>
    %dot_general3A_5 = tpu.matmul %get3A_1, %get3A_4, %dot_general3A {dimension_numbers = #tpu.dot_dimension_numbers<[1], [0], [0], [1], [0, 0, 1, 1], [], []>, transpose_lhs_hint = false} : vector<1000x128xf32>, vector<128x128xf32>, vector<1000x128xf32> -> vector<1000x128xf32>
    %get3A_6 = arith.constant 0 : index
    %get3A_7 = arith.constant 0 : index
    %get3A_8 = vector.load %arg3[%get3A_6, %get3A_7] : memref<1x128xf32, #tpu.memory_space<vmem>>, vector<1x128xf32>
    %add3A = vector.broadcast %get3A_8 : vector<1x128xf32> to vector<1000x128xf32>
    %add3A_9 = arith.addf %dot_general3A_5, %add3A : vector<1000x128xf32>
    %ge3A = arith.constant 0.000000e+00 : f32
    %ge3A_10 = vector.broadcast %ge3A : f32 to vector<1000x128xf32>
    %ge3A_11 = arith.cmpf oge, %add3A_9, %ge3A_10 : vector<1000x128xf32>
    %mul3A = arith.constant 3.000000e-01 : f32
    %mul3A_12 = vector.broadcast %mul3A : f32 to vector<1000x128xf32>
    %mul3A_13 = arith.mulf %mul3A_12, %add3A_9 : vector<1000x128xf32>
    %select_n3A = arith.select %ge3A_11, %add3A_9, %mul3A_13 : vector<1000x128xi1>, vector<1000x128xf32>
    %swap3A = arith.constant 0 : index
    %swap3A_14 = arith.constant 0 : index
    %swap3A_15 = vector.load %arg6[%swap3A, %swap3A_14] : memref<1000x128xf32, #tpu.memory_space<vmem>>, vector<1000x128xf32>
    tpu.vector_store %arg6[%swap3A, %swap3A_14], %select_n3A {strides = array<i32>} : memref<1000x128xf32, #tpu.memory_space<vmem>>, vector<1000x128xf32>,
    %get3A_16 = arith.constant 0 : index
    %get3A_17 = arith.constant 0 : index
    %get3A_18 = vector.load %arg4[%get3A_16, %get3A_17] : memref<128x128xf32, #tpu.memory_space<vmem>>, vector<128x128xf32>
    %dot_general3A_19 = arith.constant dense<0.000000e+00> : vector<1000x128xf32>
    %dot_general3A_20 = tpu.matmul %get3A_1, %get3A_18, %dot_general3A_19 {dimension_numbers = #tpu.dot_dimension_numbers<[1], [0], [0], [1], [0, 0, 1, 1], [], []>, transpose_lhs_hint = false} : vector<1000x128xf32>, vector<128x128xf32>, vector<1000x128xf32> -> vector<1000x128xf32>
    %get3A_21 = arith.constant 0 : index
    %get3A_22 = arith.constant 0 : index
    %get3A_23 = vector.load %arg5[%get3A_21, %get3A_22] : memref<1x128xf32, #tpu.memory_space<vmem>>, vector<1x128xf32>
    %add3A_24 = vector.broadcast %get3A_23 : vector<1x128xf32> to vector<1000x128xf32>
    %add3A_25 = arith.addf %dot_general3A_20, %add3A_24 : vector<1000x128xf32>
    %swap3A_26 = arith.constant 0 : index
    %swap3A_27 = arith.constant 0 : index
    %swap3A_28 = vector.load %arg7[%swap3A_26, %swap3A_27] : memref<1000x128xf32, #tpu.memory_space<vmem>>, vector<1000x128xf32>
    tpu.vector_store %arg7[%swap3A_26, %swap3A_27], %add3A_25 {strides = array<i32>} : memref<1000x128xf32, #tpu.memory_space<vmem>>, vector<1000x128xf32>,
    return
  }
  func.func @transform_0(%arg0: i32) -> (i32, i32) {
    %c0_i32 = arith.constant 0 : i32
    %c0_i32_0 = arith.constant 0 : i32
    return %arg0, %c0_i32 : i32, i32
  }
  func.func @transform_1(%arg0: i32) -> (i32, i32) {
    %c0_i32 = arith.constant 0 : i32
    %c0_i32_0 = arith.constant 0 : i32
    %c0_i32_1 = arith.constant 0 : i32
    return %c0_i32, %c0_i32_0 : i32, i32
  }
  func.func @transform_2(%arg0: i32) -> (i32, i32) {
    %c0_i32 = arith.constant 0 : i32
    %c0_i32_0 = arith.constant 0 : i32
    %c0_i32_1 = arith.constant 0 : i32
    return %c0_i32, %c0_i32_0 : i32, i32
  }
  func.func @transform_3(%arg0: i32) -> (i32, i32) {
    %c0_i32 = arith.constant 0 : i32
    %c0_i32_0 = arith.constant 0 : i32
    %c0_i32_1 = arith.constant 0 : i32
    return %c0_i32, %c0_i32_0 : i32, i32
  }
  func.func @transform_4(%arg0: i32) -> (i32, i32) {
    %c0_i32 = arith.constant 0 : i32
    %c0_i32_0 = arith.constant 0 : i32
    %c0_i32_1 = arith.constant 0 : i32
    return %c0_i32, %c0_i32_0 : i32, i32
  }
  func.func @transform_5(%arg0: i32) -> (i32, i32) {
    %c0_i32 = arith.constant 0 : i32
    %c0_i32_0 = arith.constant 0 : i32
    return %arg0, %c0_i32 : i32, i32
  }
  func.func @transform_6(%arg0: i32) -> (i32, i32) {
    %c0_i32 = arith.constant 0 : i32
    %c0_i32_0 = arith.constant 0 : i32
    return %arg0, %c0_i32 : i32, i32
  }
}

module attributes {stable_mosaic.version = 14 : i64} {
  func.func @_tc_post_body(%arg0: i32, %arg1: memref<1000x128xf32, #tpu.memory_space<vmem>>, %arg2: memref<1000x128xf32, #tpu.memory_space<vmem>>, %arg3: memref<128x128xf32, #tpu.memory_space<vmem>>, %arg4: memref<1000x128xf32, #tpu.memory_space<vmem>>) attributes {dimension_semantics = [#tpu.dimension_semantics<arbitrary>], iteration_bounds = array<i64: 10>, scalar_prefetch = 0 : i64, scratch_operands = 0 : i64, tpu.core_type = #tpu.core_type<tc>, window_params = [{transform_indices = @transform_0, window_bounds = array<i64: 1000, 128>}, {transform_indices = @transform_1, window_bounds = array<i64: 1000, 128>}, {pipeline_mode = #tpu.pipeline_mode<synchronous>, transform_indices = @transform_2, window_bounds = array<i64: 128, 128>}, {transform_indices = @transform_3, window_bounds = array<i64: 1000, 128>}]} {
    %get3A = arith.constant 0 : index
    %get3A_0 = arith.constant 0 : index
    %get3A_1 = vector.load %arg1[%get3A, %get3A_0] : memref<1000x128xf32, #tpu.memory_space<vmem>>, vector<1000x128xf32>
    %get3A_2 = arith.constant 0 : index
    %get3A_3 = arith.constant 0 : index
    %get3A_4 = vector.load %arg2[%get3A_2, %get3A_3] : memref<1000x128xf32, #tpu.memory_space<vmem>>, vector<1000x128xf32>
    %get3A_5 = arith.constant 0 : index
    %get3A_6 = arith.constant 0 : index
    %get3A_7 = vector.load %arg3[%get3A_5, %get3A_6] : memref<128x128xf32, #tpu.memory_space<vmem>>, vector<128x128xf32>
    %dot_general3A = arith.constant dense<0.000000e+00> : vector<1000x128xf32>
    %dot_general3A_8 = tpu.matmul %get3A_4, %get3A_7, %dot_general3A {dimension_numbers = #tpu.dot_dimension_numbers<[1], [0], [0], [1], [0, 0, 1, 1], [], []>, transpose_lhs_hint = false} : vector<1000x128xf32>, vector<128x128xf32>, vector<1000x128xf32> -> vector<1000x128xf32>
    %add3A = arith.addf %get3A_1, %dot_general3A_8 : vector<1000x128xf32>
    %ge3A = arith.constant 0.000000e+00 : f32
    %ge3A_9 = vector.broadcast %ge3A : f32 to vector<1000x128xf32>
    %ge3A_10 = arith.cmpf oge, %add3A, %ge3A_9 : vector<1000x128xf32>
    %mul3A = arith.constant 3.000000e-01 : f32
    %mul3A_11 = vector.broadcast %mul3A : f32 to vector<1000x128xf32>
    %mul3A_12 = arith.mulf %mul3A_11, %add3A : vector<1000x128xf32>
    %select_n3A = arith.select %ge3A_10, %add3A, %mul3A_12 : vector<1000x128xi1>, vector<1000x128xf32>
    %mul3A_13 = arith.mulf %select_n3A, %select_n3A : vector<1000x128xf32>
    %reduce_sum3A = arith.constant dense<0.000000e+00> : vector<1000xf32>
    %reduce_sum3A_14 = vector.multi_reduction <add>, %mul3A_13, %reduce_sum3A [1] : vector<1000x128xf32> to vector<1000xf32>
    %broadcast_in_dim3A = vector.shape_cast %reduce_sum3A_14 : vector<1000xf32> to vector<1000x1xf32>
    %sqrt3A = math.sqrt %broadcast_in_dim3A : vector<1000x1xf32>
    %add3A_15 = arith.constant 9.99999997E-7 : f32
    %add3A_16 = vector.broadcast %add3A_15 : f32 to vector<1000x1xf32>
    %add3A_17 = arith.addf %sqrt3A, %add3A_16 : vector<1000x1xf32>
    %div3A = vector.broadcast %add3A_17 : vector<1000x1xf32> to vector<1000x128xf32>
    %div3A_18 = arith.divf %select_n3A, %div3A : vector<1000x128xf32>
    %swap3A = arith.constant 0 : index
    %swap3A_19 = arith.constant 0 : index
    %swap3A_20 = vector.load %arg4[%swap3A, %swap3A_19] : memref<1000x128xf32, #tpu.memory_space<vmem>>, vector<1000x128xf32>
    tpu.vector_store %arg4[%swap3A, %swap3A_19], %div3A_18 {strides = array<i32>} : memref<1000x128xf32, #tpu.memory_space<vmem>>, vector<1000x128xf32>,
    return
  }
  func.func @transform_0(%arg0: i32) -> (i32, i32) {
    %c0_i32 = arith.constant 0 : i32
    %c0_i32_0 = arith.constant 0 : i32
    return %arg0, %c0_i32 : i32, i32
  }
  func.func @transform_1(%arg0: i32) -> (i32, i32) {
    %c0_i32 = arith.constant 0 : i32
    %c0_i32_0 = arith.constant 0 : i32
    return %arg0, %c0_i32 : i32, i32
  }
  func.func @transform_2(%arg0: i32) -> (i32, i32) {
    %c0_i32 = arith.constant 0 : i32
    %c0_i32_0 = arith.constant 0 : i32
    %c0_i32_1 = arith.constant 0 : i32
    return %c0_i32, %c0_i32_0 : i32, i32
  }
  func.func @transform_3(%arg0: i32) -> (i32, i32) {
    %c0_i32 = arith.constant 0 : i32
    %c0_i32_0 = arith.constant 0 : i32
    return %arg0, %c0_i32 : i32, i32
  }
}

</mosaic_0001>

<sc_bundles>
// kernel: kernel.5.cloned.1.call-start
scs
__scs_entry_jumppad:
0x0: {  	(pc) =	sbr.rel $0x88, $3  }
0x1: {  	(tag) =	ssettag $0x0;
	lr =	simm.s32 $0x1  }
0x2: {  	[smem:$0x3F9A] =	sst lr;
	_ =	strace $0xD0000000  }
0x3: {  	_ = 	snop  }
0x4: {  	_ = 	snop  }
0x5: {  	_ = 	snop  }
0x6: {  	_ = 	snop  }
0x7: {  	_ = 	snop  }
__scs_overlays_trampoline_lowered:
0x8: {  	[smem:$0x3FA9] =	sst s0  }
0x9: {  	[smem:$0x3FAA] =	sst s1  }
0xa: {  	[smem:$0x3FAB] =	sst s2  }
0xb: {  	[smem:$0x3FAC] =	sst s3  }
0xc: {  	[smem:$0x3FAD] =	sst s4  }
0xd: {  	[smem:$0x3FAE] =	sst s5  }
0xe: {  	[smem:$0x3FAF] =	sst s6  }
0xf: {  	[smem:$0x3FB0] =	sst s7  }
0x10: {  	[smem:$0x3FB1] =	sst s8  }
0x11: {  	[smem:$0x3FB2] =	sst s9;
	s0 =	simm.s32 @!p0 $0x0  }
0x12: {  	s1 =	sld [smem:$0x3F98];
	s0 =	simm.s32 @p0 $0x1  }
0x13: {  	[smem:$0x3FB3] =	sst s0;
	s0 =	simm.s32 @!p1 $0x0  }
0x14: {  	s2 =	sld [smem:$0x3F97];
	s0 =	simm.s32 @p1 $0x1  }
0x15: {  	[smem:$0x3FB4] =	sst s0;
	s0 =	simm.s32 @!p2 $0x0  }
0x16: {  	s3 =	sld [smem:$0x3FDB];
	s0 =	simm.s32 @p2 $0x1  }
0x17: {  	s4 =	simm.s32 $0x1BF5;
	[smem:$0x3FB6] =	sst s0  }
0x18: {  	s0 =	sld [smem:$0x3F99];
	_ =	swait.ge [sflag:s4], $0x0  }
0x19: {  	s7 =	sld [smem:$0x3F9A]  }
0x1a: {  	s8 =	sadd.s32 $0xFFFFE003, lr  }
0x1b: {  	s9 =	sadd.s32 $0xFFFFFEF7, lr;
	s5 =	simm.s32 $0xFFFFFFFF;
	p2 =	slt.u32 s8, $0xFFFFF086  }
0x1c: {  	p1 =	slt.u32 s9, $0xF7A;
	s5 =	simm.s32 @!p2 $0x0  }
0x1d: {  	s5 =	simm.s32 @p1 $0x1;
	p0 =	seq.s32 s7, s2  }
0x1e: {  	s7 =	smul.u32 @!p0 $0xF7A, s2;
	p2 =	seq.s32 @!p0 s5, $0x0  }
0x1f: {  	s9 =	smul.u32 $0xF7A, s1;
	s8 =	simm.s32 @!p0 $0x1BF5;
	p2 =	por !p2, p0  }
0x20: {  	[sflag:s8] =	ssyncset.s32 @!p0 $0xFFFFF086;
	s6 =	sadd.s32 @!p0 s3, s7;
	s7 =	simm.s32 @!p0 $0x108  }
0x21: {  	s3 =	sadd.s32 s3, s9;
	s6 =	sadd.s32 @!p0 $0x88, s6;
	s7 =	simm.s32 @p2 $0x1082  }
0x22: {  	[simem:s7], [sflag:s8] =	dma.local @!p0 [hbm:s6], $0xF7A  }
0x23: {  	s9 =	sor.u32 $0xD0000000, s2;
	s6 =	simm.s32 $0x108;
	_ =	swait.ge @!p0 [sflag:s8], $0x0  }
0x24: {  	s3 =	sadd.s32 $0x88, s3;
	s6 =	simm.s32 @!p1 $0x1082;
	[sflag:s4] =	ssyncset.s32 $0xFFFFF086  }
0x25: {  	[simem:s6], [sflag:s4] =	dma.local [hbm:s3], $0xF7A  }
0x26: {  	[smem:$0x3F9A] =	sst s1;
	(tag) =	ssettag s2;
	_ =	strace s9  }
0x27: {  	s1 =	sld [smem:$0x3FAA]  }
0x28: {  	s2 =	sld [smem:$0x3FAB]  }
0x29: {  	s4 =	sld [smem:$0x3FAD]  }
0x2a: {  	p0 =	seq.s32 s5, $0x0;
	s5 =	sld [smem:$0x3FAE]  }
0x2b: {  	s6 =	sld [smem:$0x3FAF]  }
0x2c: {  	s7 =	sld [smem:$0x3FB0]  }
0x2d: {  	s3 =	simm.s32 $0x108;
	s8 =	sld [smem:$0x3FB1]  }
0x2e: {  	s3 =	simm.s32 @!p0 $0x1082;
	s9 =	sld [smem:$0x3FB2]  }
0x2f: {  	lr =	sadd.s32 s0, s3;
	s0 =	sld [smem:$0x3FA9]  }
0x30: {  	s3 =	sld [smem:$0x3FAC]  }
0x31: {  	[smem:$0x3FB5] =	sst s10  }
0x32: {  	s10 =	sld [smem:$0x3FB3];
	_ =	sdelay $0x3  }
0x33: {  	p0 =	seq.s32 s10, $0x1;
	s10 =	sld [smem:$0x3FB5];
	_ =	sdelay $0x3  }
0x34: {  	[smem:$0x3FB5] =	sst s10  }
0x35: {  	s10 =	sld [smem:$0x3FB4];
	_ =	sdelay $0x3  }
0x36: {  	p1 =	seq.s32 s10, $0x1;
	s10 =	sld [smem:$0x3FB5];
	_ =	sdelay $0x3  }
0x37: {  	[smem:$0x3FB5] =	sst s10  }
0x38: {  	s10 =	sld [smem:$0x3FB6]  }
0x39: {  	_ = 	snop;
	(pc) =	sbr.ind lr, $3  }
0x3a: {  	_ = 	snop  }
0x3b: {  	_ = 	snop  }
0x3c: {  	p2 =	seq.s32 s10, $0x1;
	s10 =	sld [smem:$0x3FB5]  }
0x3d: {  	_ =	shalt  }
0x3e: {  	_ =	shalt  }
0x3f: {  	_ =	shalt  }
0x40: {  	_ =	shalt  }
0x41: {  	_ =	shalt  }
0x42: {  	_ =	shalt  }
0x43: {  	_ =	shalt  }
0x44: {  	_ =	shalt  }
0x45: {  	_ =	shalt  }
0x46: {  	_ =	shalt  }
0x47: {  	_ =	shalt  }
0x48: {  	_ =	shalt  }
0x49: {  	_ =	shalt  }
0x4a: {  	_ =	shalt  }
0x4b: {  	_ =	shalt  }
0x4c: {  	_ =	shalt  }
0x4d: {  	_ =	shalt  }
0x4e: {  	_ =	shalt  }
0x4f: {  	_ =	shalt  }
0x50: {  	_ =	shalt  }
0x51: {  	_ =	shalt  }
0x52: {  	_ =	shalt  }
0x53: {  	_ =	shalt  }
0x54: {  	_ =	shalt  }
0x55: {  	_ =	shalt  }
0x56: {  	_ =	shalt  }
0x57: {  	_ =	shalt  }
0x58: {  	_ =	shalt  }
0x59: {  	_ =	shalt  }
0x5a: {  	_ =	shalt  }
0x5b: {  	_ =	shalt  }
0x5c: {  	_ =	shalt  }
0x5d: {  	_ =	shalt  }
0x5e: {  	_ =	shalt  }
0x5f: {  	_ =	shalt  }
0x60: {  	_ =	shalt  }
0x61: {  	_ =	shalt  }
0x62: {  	_ =	shalt  }
0x63: {  	_ =	shalt  }
0x64: {  	_ =	shalt  }
0x65: {  	_ =	shalt  }
0x66: {  	_ =	shalt  }
0x67: {  	_ =	shalt  }
0x68: {  	_ =	shalt  }
0x69: {  	_ =	shalt  }
0x6a: {  	_ =	shalt  }
0x6b: {  	_ =	shalt  }
0x6c: {  	_ =	shalt  }
0x6d: {  	_ =	shalt  }
0x6e: {  	_ =	shalt  }
0x6f: {  	_ =	shalt  }
0x70: {  	_ =	shalt  }
0x71: {  	_ =	shalt  }
0x72: {  	_ =	shalt  }
0x73: {  	_ =	shalt  }
0x74: {  	_ =	shalt  }
0x75: {  	_ =	shalt  }
0x76: {  	_ =	shalt  }
0x77: {  	_ =	shalt  }
0x78: {  	_ =	shalt  }
0x79: {  	_ =	shalt  }
0x7a: {  	_ =	shalt  }
0x7b: {  	_ =	shalt  }
0x7c: {  	_ =	shalt  }
0x7d: {  	_ =	shalt  }
0x7e: {  	_ =	shalt  }
0x7f: {  	_ =	shalt  }
0x80: {  	_ =	shalt  }
0x81: {  	_ =	shalt  }
0x82: {  	_ =	shalt  }
0x83: {  	_ =	shalt  }
0x84: {  	_ =	shalt  }
0x85: {  	_ =	shalt  }
0x86: {  	_ =	shalt  }
0x87: {  	_ =	shalt  }
.Lfunc_end0:
.L_simem_size_0:
called_computation_lowered:
.L_overlay_start_0:
0x88: {  	s2 =	sld [smem:$0x3FD9]  }
0x89: {  	s3 =	sld [smem:$0x3FFE];
	_ =	sdelay $0x1  }
0x8a: {  	s1 =	srdreg.scid  }
0x8b: {  	s0 =	sand.u32 $0x1, s1  }
0x8c: {  	s16 =	sshll.u32 s0, $0xA;
	s2 =	sadd.s32 s3, s2  }
0x8d: {  	s2 =	sadd.s32 s2, s16  }
0x8e: {  	[smem:$0x3FC1] =	sst s2  }
0x8f: {  	_ = 	snop  }
0x90: {  	(tm) =	ssettm $0x1  }
0x91: {  	s17 =	sld [smem:$0x3FFB];
	_ =	sdelay $0x3  }
0x92: {  	_ =	strace s17  }
0x93: {  	s2 =	sld [smem:$0x3FFC];
	_ =	sdelay $0x3  }
0x94: {  	_ =	strace s2  }
0x95: {  	s2 =	sld [smem:$0x3FFD];
	_ =	sdelay $0x3  }
0x96: {  	_ =	strace s2  }
0x97: {  	_ =	strace $0x8FFFFFFF  }
0x98: {  	s18 =	sld [smem:$0x3FDB];
	_ =	sdelay $0x1  }
0x99: {  	s19 =	simm.s32 $_scs_section_size  }
0x9a: {  	s4 =	simm.s32 $_size__tile_overlayer_lowered;
	s5 =	simm.s32 $_tile_overlayer_lowered  }
0x9b: {  	s22 =	simm.s32 $0x1BFF;
	s21 =	sshll.u32 s5, $0x1;
	s2 =	sadd.s32 s19, s18  }
0x9c: {  	s6 =	simm.s32 $0x0;
	s20 =	sshll.u32 s4, $0x1;
	s4 =	sadd.s32 s21, s2  }
0x9d: {  	[timem:s6], [sflag:s22] =	dma.local [hbm:s4], s20  }
0x9e: {  	_ =	swait.ge [sflag:s22], s20  }
0x9f: {  	s3 =	ssub.s32 $0x0, s20;
	[sflag:s22] =	ssyncset.done $0x0  }
0xa0: {  	[sflag:s22] =	ssyncadd.s32 s3;
	_ =	sdelay $0x1  }
0xa1: {  	s23 =	simm.s32 $0x1B8B  }
0xa2: {  	_ =	swait.ge [sflag:s23], $0x1  }
0xa3: {  	[sflag:s23] =	ssyncset.done $0x0  }
0xa4: {  	s25 =	simm.s32 $0x1B8E;
	s24 =	sld [smem:$0x3FFE];
	[sflag:s23] =	ssyncadd.s32 $0xFFFFFFFF  }
0xa5: {  	s26 =	simm.s32 $execute0_lowered;
	[smem:$0x3FD2] =	sst s25  }
0xa6: {  	s4 =	sshll.u32 s26, $0x1;
	_ =	strace $0x80000046;
	[dreg:$0x1] =	wrdreg $0xFFFFFFFF  }
0xa7: {  	s28 =	simm.s32 $_size_execute0_lowered;
	s2 =	sadd.s32 s2, s4;
	[dreg:$0x0] =	wrdreg $0x0  }
0xa8: {  	s4 =	sshll.u32 s28, $0x1;
	[dreg:$0x2] =	wrdreg s2  }
0xa9: {  	[dreg:$0x3] =	wrdreg s4  }
0xaa: {  	[dreg:$0x4] =	wrdreg $0xC0  }
0xab: {  	_ =	task [dreg:s6], $0x5FFFF  }
0xac: {  	[dreg:$0x1] =	wrdreg $0xFFFFFFFF  }
0xad: {  	[dreg:$0x0] =	wrdreg $0x60  }
0xae: {  	[dreg:$0x2] =	wrdreg s24  }
0xaf: {  	[dreg:$0x3] =	wrdreg $0x9  }
0xb0: {  	_ =	task.clear_ibuf [dreg:s6], $0x4FFFF;
	_ =	strace $0x90000046  }
0xb1: {  	s29 =	simm.s32 $0x9;
	_ =	strace $0x80000048  }
0xb2: {  	_ =	swait.ge [sflag:s29], $0x1  }
0xb3: {  	[sflag:s29] =	ssyncadd.s32 $0xFFFFFFFF  }
0xb4: {  	_ =	strace $0x90000048  }
0xb5: {  	_ =	sfence  }
0xb6: {  	s30 =	sld [smem:$0x0];
	_ =	sdelay $0x2  }
0xb7: {  	s31 =	sshll.u32 s1, $0xD;
	s1 =	sshrl.u32 s1, $0x2  }
0xb8: {  	s3 =	sand.u32 $0x4000, s31;
	s1 =	sadd.s32 s1, s30  }
0xb9: {  	s0 =	sor.u32 s3, s0;
	s1 =	sshll.u32 s1, $0x11  }
0xba: {  	s0 =	sor.u32 s1, s0  }
0xbb: {  	s0 =	sadd.s32 $0x8F2B, s0  }
0xbc: {  	[sflag:s0] =	ssyncadd.remote.s32 $0x1  }
0xbd: {  	_ =	sfence.sel $0xFFFF  }
0xbe: {  	[dreg:$0x0] =	wrdreg $0xFFFFFFFF;
	(pc) =	sbr.abs _section_cstart, $3  }
0xbf: {  	[dreg:$0x1] =	wrdreg $0xFFFFFFFF  }
0xc0: {  	_ =	task.clear_ibuf [dreg:s6], $0x2FFFF;
	_ =	strace $0x9FFFFFFF  }
0xc1: {  	(tm) =	ssettm $0x7FFFFFFF  }
tec
execute0_lowered:
.L_overlay_start_1:
0x0: {  	(tag) =	ssettag $0x1  }
0x1: {  	s0 =	srdreg.scid  }
0x2: {  	s1 =	stileid.u32;
	s5 =	rddreg [dreg:$0x0];
	s2 =	simm.s32 $0x0  }
0x3: {  	v0 =	vimm.s32 $0xFEDCBA98;
	v1 =	vimm.s32 $0x76543210;
	s9 =	simm.s32 $0x2800;
	s12 =	simm.s32 $0x40;
	s17 =	simm.s32 $0x13000  }
0x4: {  	v2 =	vimm.s32 $0xBA98FEDC;
	v3 =	vimm.s32 $0x32107654;
	s18 =	simm.s32 $0x2880;
	s19 =	simm.s32 $0x17080;
	s20 =	simm.s32 $0x1  }
0x5: {  	v4 =	vimm.s32 $0xDCFE98BA;
	v5 =	vimm.s32 $0x54761032;
	v6 =	vimm.s32 $0xEFCDAB89;
	s21 =	simm.s32 $0x5;
	s22 =	simm.s32 $0x2;
	s23 =	simm.s32 $0x6  }
0x6: {  	v7 =	vimm.s32 $0x67452301;
	s24 =	simm.s32 $0x3;
	s25 =	simm.s32 $0x7;
	s26 =	simm.s32 $0x5000;
	v0 =	vunpack.c.l.s4.s8 v0;
	v1 =	vunpack.c.l.s4.s8 v1  }
0x7: {  	s28 =	simm.s32 $0x0;
	s0 =	sand.u32 $0x1, s0;
	s1 =	sshll.u32 s1, $0x1;
	v2 =	vunpack.c.l.s4.s8 v2;
	v3 =	vunpack.c.l.s4.s8 v3;
	v4 =	vunpack.c.l.s4.s8 v4  }
0x8: {  	s29 =	simm.s32 $0x0;
	[smem:$0x7FF] =	sst s2;
	v5 =	vunpack.c.l.s4.s8 v5;
	v6 =	vunpack.c.l.s4.s8 v6;
	v7 =	vunpack.c.l.s4.s8 v7;
	s1 =	sor.u32 s0, s1  }
0x9: {  	s4 =	sadd.s32 $0xBF8000, s5;
	s0 =	ssub.s32 $0x2, s0;
	s3 =	smul.u32 $0x500, s1;
	v0 =	vunpack.c.0.s8.s32 v0;
	v1 =	vunpack.c.0.s8.s32 v1;
	v2 =	vunpack.c.0.s8.s32 v2  }
0xa: {  	_ =	strace $0x80000047;
	s7 =	smul.u32 $0x1400, s1;
	s8 =	sshrl.u32 s0, $0x1;
	v3 =	vunpack.c.0.s8.s32 v3;
	v4 =	vunpack.c.0.s8.s32 v4;
	v5 =	vunpack.c.0.s8.s32 v5  }
0xb: {  	s1 =	smul.u32 $0x140, s1;
	v6 =	vunpack.c.0.s8.s32 v6;
	v7 =	vunpack.c.0.s8.s32 v7;
	s0 =	ssub.s32 s0, s8;
	s6 =	sadd.s32 s3, s5;
	v0 =	vand.u32 $0xF, v0  }
0xc: {  	s3 =	sadd.s32 $0xC200, s5;
	s7 =	sadd.s32 s7, s5;
	s11 =	smax.u32 s0, $0x1;
	v0 =	vcombine.low v0, v1;
	v1 =	vcombine.low v3, v2  }
0xd: {  	s5 =	sadd.s32 $0x2200, s6;
	s6 =	sadd.s32 $0xC1F200, s7;
	s7 =	simm.s32 $0x9;
	v2 =	vcombine.low v5, v4;
	v3 =	vmov s1;
	v4 =	vcombine.low v7, v6  }
.LBB2_1:
0xe: {  	[tilespmem:s2], [sflag:$0x9] =	stream.linear.gather [hbm4b:s5+s2], $0x2800, $0x38;
	[tilespmem:$0x17100] =	vst v63  }
0xf: {  	v5 =	vmov s2;
	_ =	swait.ge [sflag:s7], $0x2800  }
0x10: {  	v5 =	vshrl.u32 v5, $0x5;
	[sflag:s7] =	ssyncset.done $0x0  }
0x11: {  	v5 =	vadd.s32 v3, v5;
	[sflag:s7] =	ssyncadd.s32 $0xFFFFD800  }
0x12: {  	v5 =	vmin.u32 v5, $0x270F;
	v6 =	vld [tilespmem:s2+$0x0]  }
0x13: {  	v5 =	vmul.u32 $0x2710, v5;
	_ =	sdelay $0x1  }
0x14: {  	s0 =	simm.s32 $0x10;
	v5 =	vbroadcast v5, $0x0  }
0x15: {  	v7 =	vmov s0  }
0x16: {  	v7 =	vshrl.u32 v7, $0x5;
	v5 =	vadd.s32 v5, v6  }
0x17: {  	v7 =	vadd.s32 v3, v7;
	[tilespmem:s9+$0x0] =	vst v5  }
0x18: {  	v7 =	vmin.u32 v7, $0x270F;
	v5 =	vld [tilespmem:s0+$0x0]  }
0x19: {  	v6 =	vmul.u32 $0x2710, v7;
	_ =	sdelay $0x1  }
0x1a: {  	s1 =	simm.s32 $0x20;
	v6 =	vbroadcast v6, $0x0  }
0x1b: {  	s8 =	simm.s32 $0x30;
	v7 =	vmov s1;
	s1 =	simm.s32 $0x2800  }
.LBB2_2:
0x1c: {  	p0 =	sne.s32 s8, $0x27F0;
	v7 =	vshrl.u32 v7, $0x5;
	v5 =	vadd.s32 v6, v5;
	s1 =	sadd.s32 $0x10, s1  }
0x1d: {  	s0 =	sadd.s32 $0x10, s0;
	v6 =	vadd.s32 v3, v7;
	[tilespmem:s1+$0x0] =	vst v5  }
.Ltmp0:
0x1e: {  	v6 =	vmin.u32 v6, $0x270F;
	v5 =	vld [tilespmem:s0+$0x0];
	(pc) =	sbr.rel @p0 .LBB2_2-.Ltmp0, $3  }
0x1f: {  	v6 =	vmul.u32 $0x2710, v6;
	_ =	sdelay $0x1  }
0x20: {  	v6 =	vbroadcast v6, $0x0  }
0x21: {  	v7 =	vmov s8;
	s8 =	sadd.s32 $0x10, s8  }
0x22: {  	v7 =	vshrl.u32 v7, $0x5;
	v5 =	vadd.s32 v6, v5;
	s1 =	sadd.s32 $0x10, s1  }
0x23: {  	s0 =	sadd.s32 $0x10, s0;
	v6 =	vadd.s32 v3, v7;
	[tilespmem:s1+$0x0] =	vst v5  }
0x24: {  	v5 =	vmin.u32 v6, $0x270F;
	v6 =	vld [tilespmem:s0+$0x0]  }
0x25: {  	v5 =	vmul.u32 $0x2710, v5;
	_ =	sdelay $0x1  }
0x26: {  	v5 =	vbroadcast v5, $0x0;
	_ =	sdelay $0x1  }
0x27: {  	s1 =	sadd.s32 $0x10, s1;
	v5 =	vadd.s32 v5, v6  }
0x28: {  	s8 =	simm.s32 $0xF000;
	[tilespmem:s1+$0x0] =	vst v5  }
0x29: {  	[tilespmem:s8], [sflag:$0x1] =	stream.indirect.gather [hbm4b:s4+s12], $0x80, s29, s12, $0xb8;
	[tilespmem:$0x17100] =	vst v63  }
0x2a: {  	s10 =	simm.s32 $0x17000  }
0x2b: {  	[tilespmem:s10], [sflag:$0x5] =	stream.indirect.gather [hbm4b:s3+s12], $0x1, s9, s12, $0xb8;
	[tilespmem:$0x17100] =	vst v63  }
0x2c: {  	s13 =	simm.s32 $0x11000  }
0x2d: {  	[tilespmem:s13], [sflag:$0x2] =	stream.indirect.gather [hbm4b:s4+s12], $0x80, s12, s12, $0xb8;
	[tilespmem:$0x17100] =	vst v63  }
0x2e: {  	s14 =	simm.s32 $0x2840;
	s15 =	simm.s32 $0x17040  }
0x2f: {  	[tilespmem:s15], [sflag:$0x6] =	stream.indirect.gather [hbm4b:s3+s12], $0x1, s14, s12, $0xb8;
	[tilespmem:$0x17100] =	vst v63  }
0x30: {  	s16 =	simm.s32 $0x80  }
0x31: {  	[tilespmem:s17], [sflag:$0x3] =	stream.indirect.gather [hbm4b:s4+s12], $0x80, s16, s12, $0xb8;
	[tilespmem:$0x17100] =	vst v63  }
0x32: {  	s30 =	simm.s32 $0x0;
	s31 =	simm.s32 $0x0  }
0x33: {  	[tilespmem:s19], [sflag:$0x7] =	stream.indirect.gather [hbm4b:s3+s12], $0x1, s18, s12, $0xb8;
	[tilespmem:$0x17100] =	vst v63  }
.LBB2_4:
0x34: {  	s0 =	sadd.s32 $0x3, s31  }
0x35: {  	s1 =	sand.u32 $0x3, s0;
	s0 =	smin.u32 s0, $0x9F  }
0x36: {  	s8 =	sshll.u32 s1, $0xD;
	s0 =	sshll.u32 s0, $0x6  }
0x37: {  	s10 =	sadd.s32 $0x1, s1;
	s16 =	sshll.u32 s1, $0x6;
	s8 =	sadd.s32 $0xF000, s8  }
0x38: {  	[tilespmem:s8], [sflag:s10] =	stream.indirect.gather [hbm4b:s4+s12], $0x80, s0, s12, $0xb8;
	[tilespmem:$0x17100] =	vst v63  }
0x39: {  	s1 =	sadd.s32 $0x5, s1;
	s8 =	sor.u32 $0x17000, s16;
	s0 =	sadd.s32 $0x2800, s0  }
0x3a: {  	[tilespmem:s8], [sflag:s1] =	stream.indirect.gather [hbm4b:s3+s12], $0x1, s0, s12, $0xb8;
	[tilespmem:$0x17100] =	vst v63  }
0x3b: {  	s8 =	sand.u32 $0x3, s31  }
0x3c: {  	s10 =	sadd.s32 $0x1, s8  }
0x3d: {  	_ =	swait.ge [sflag:s10], $0x2000  }
0x3e: {  	[sflag:s10] =	ssyncset.done $0x0  }
0x3f: {  	s14 =	sshll.u32 s31, $0x6;
	s13 =	sadd.s32 $0x5, s8;
	[sflag:s10] =	ssyncadd.s32 $0xFFFFE000  }
0x40: {  	s0 =	sshll.u32 s8, $0x6;
	s8 =	sand.u32 $0x80, s14;
	_ =	swait.ge [sflag:s13], $0x40  }
0x41: {  	s15 =	sand.u32 $0x40, s0;
	s8 =	sor.u32 $0x17000, s8;
	[sflag:s13] =	ssyncset.done $0x0  }
0x42: {  	s10 =	sor.u32 s15, s8;
	[sflag:s13] =	ssyncadd.s32 $0xFFFFFFC0  }
0x43: {  	v6 =	vld [tilespmem:s10+$0x0]  }
0x44: {  	v7 =	vld [tilespmem:s10+$0x10];
	_ =	sdelay $0x4  }
0x45: {  	v5 =	vadd.f32 v7, v6;
	_ =	sdelay $0x1  }
0x46: {  	v8 =	vperm.xlane v5, v0;
	_ =	sdelay $0x1  }
0x47: {  	s16 =	sshll.u32 s30, $0xD;
	v5 =	vadd.f32 v8, v5  }
0x48: {  	s13 =	sand.u32 $0x6000, s16  }
0x49: {  	s1 =	sadd.s32 $0xF040, s13;
	v8 =	vperm.xlane v5, v1  }
0x4a: {  	s14 =	sand.u32 $0xF, s29;
	v9 =	vld [tilespmem:s1+$0x30]  }
0x4b: {  	v11 =	vmov s14;
	v10 =	vld [tilespmem:s1+$0xFFFFFFC0];
	v5 =	vadd.f32 v8, v5  }
0x4c: {  	v13 =	vld [tilespmem:s1+$0xFFFFFFD0];
	v12 =	vperm.xlane v6, v11  }
0x4d: {  	v15 =	vld [tilespmem:s1+$0xFFFFFFE0];
	v11 =	vperm.xlane v7, v11;
	v8 =	vperm.xlane v5, v2  }
0x4e: {  	p0 =	por $0x1, $0x1  }
0x4f: {  	v18 =	vimm.f32 $0.0e+00;
	v22 =	vld [tilespmem:s1+$0xFFFFFFF0];
	v14 =	vadd.f32 v8, v5;
	v8 =	vpsel p0, v12, v11  }
0x50: {  	v16 =	vimm.f32 $0.0e+00;
	v17 =	vld [tilespmem:s1+$0x0];
	v12 =	vimm.f32 $0.0e+00;
	v5 =	vmul.f32 v9, v8  }
0x51: {  	v19 =	vld [tilespmem:s1+$0x10];
	v11 =	vimm.f32 $0.0e+00;
	v9 =	vmul.f32 v10, v8;
	v23 =	vmul.f32 v13, v8  }
0x52: {  	s14 =	simm.s32 $0x1;
	v21 =	vld [tilespmem:s1+$0x20];
	s1 =	sadd.s32 $0x80, s1;
	v24 =	vmul.f32 v15, v8;
	v15 =	vimm.f32 $0.0e+00;
	v13 =	vimm.f32 $0.0e+00  }
0x53: {  	s15 =	simm.s32 $0x2;
	s16 =	sand.u32 $0xF, s14;
	s13 =	sor.u32 $0x10070, s13;
	v10 =	vld [tilespmem:s1+$0x30];
	v20 =	vperm.xlane v14, v4;
	v5 =	vadd.f32 v5, v12;
	v9 =	vadd.f32 v9, v12  }
.LBB2_5:
0x54: {  	p0 =	sne.s32 s15, $0x1F;
	v25 =	vmov s16;
	v26 =	vld [tilespmem:s1+$0xFFFFFFC0];
	v12 =	vadd.f32 v23, v12;
	v22 =	vmul.f32 v22, v8  }
0x55: {  	v23 =	vperm.xlane v6, v25;
	v25 =	vperm.xlane v7, v25;
	v27 =	vld [tilespmem:s1+$0xFFFFFFD0];
	v18 =	vadd.f32 v24, v18  }
0x56: {  	p1 =	slt.u32 s14, $0x10;
	s14 =	smov.u32 s15;
	v28 =	vmul.f32 v17, v8;
	v24 =	vld [tilespmem:s1+$0xFFFFFFE0];
	v15 =	vadd.f32 v22, v15;
	v19 =	vmul.f32 v19, v8  }
.Ltmp1:
0x57: {  	v22 =	vld [tilespmem:s1+$0xFFFFFFF0];
	v21 =	vmul.f32 v21, v8;
	v8 =	vpsel p1, v23, v25;
	(pc) =	sbr.rel @p0 .LBB2_5-.Ltmp1, $4  }
0x58: {  	v16 =	vadd.f32 v28, v16;
	v17 =	vld [tilespmem:s1+$0x0];
	v10 =	vmul.f32 v10, v8;
	v13 =	vadd.f32 v19, v13  }
0x59: {  	v25 =	vmul.f32 v26, v8;
	v19 =	vld [tilespmem:s1+$0x10];
	v11 =	vadd.f32 v21, v11  }
0x5a: {  	v23 =	vmul.f32 v27, v8;
	v21 =	vld [tilespmem:s1+$0x20];
	v5 =	vadd.f32 v10, v5;
	s1 =	sadd.s32 $0x80, s1  }
0x5b: {  	s15 =	sadd.s32 $0x1, s15;
	s16 =	sand.u32 $0xF, s14;
	v10 =	vld [tilespmem:s1+$0x30];
	v9 =	vadd.f32 v25, v9;
	v24 =	vmul.f32 v24, v8  }
0x5c: {  	v14 =	vadd.f32 v20, v14;
	_ =	sdelay $0x1  }
0x5d: {  	v20 =	vmov s16;
	v14 =	vadd.f32 $9.999999970e-07, v14  }
0x5e: {  	v25 =	vld [tilespmem:s1+$0xFFFFFFD0];
	v6 =	vperm.xlane v6, v20  }
0x5f: {  	v12 =	vadd.f32 v23, v12;
	v23 =	vld [tilespmem:s1+$0xFFFFFFF0];
	v7 =	vperm.xlane v7, v20;
	(erf) = vrcp.f32 v14  }
0x60: {  	p0 =	slt.u32 s14, $0x10;
	v14 =	vld [tilespmem:s1+$0xFFFFFFC0]  }
0x61: {  	v22 =	vmul.f32 v22, v8;
	v6 =	vpsel p0, v6, v7;
	v7 =	vld [tilespmem:s1+$0x0]  }
0x62: {  	v20 =	vld [tilespmem:s1+$0xFFFFFFE0];
	v17 =	vmul.f32 v17, v8  }
0x63: {  	v15 =	vadd.f32 v22, v15;
	v19 =	vmul.f32 v19, v8;
	v22 =	vld [tilespmem:s1+$0x10];
	v8 =	vmul.f32 v21, v8  }
0x64: {  	v16 =	vadd.f32 v17, v16;
	v21 =	vld [tilespmem:s1+$0x20];
	v17 =	vmul.f32 v25, v6  }
0x65: {  	v18 =	vadd.f32 v24, v18;
	v8 =	vadd.f32 v8, v11;
	v14 =	vmul.f32 v14, v6  }
0x66: {  	v11 =	vadd.f32 v17, v12;
	v12 =	vmul.f32 v23, v6;
	v7 =	vmul.f32 v7, v6  }
0x67: {  	v13 =	vadd.f32 v19, v13;
	v9 =	vadd.f32 v14, v9;
	v14 =	vmul.f32 v20, v6  }
0x68: {  	v12 =	vadd.f32 v12, v15;
	v15 =	vmul.f32 v22, v6;
	v7 =	vadd.f32 v7, v16;
	v17 =	vpop (erf)  }
0x69: {  	s15 =	sshll.u32 s31, $0x8;
	v14 =	vadd.f32 v14, v18;
	v18 =	vmul.f32 v21, v6;
	v9 =	vmul.f32 v9, v17  }
0x6a: {  	s1 =	sand.u32 $0x3FFFFF00, s15;
	v6 =	vmul.f32 v10, v6;
	v10 =	vadd.f32 v15, v13;
	v11 =	vmul.f32 v11, v17  }
0x6b: {  	v7 =	vmul.f32 v7, v17;
	[tilespmem:s1+$0x5000] =	vst v9  }
0x6c: {  	v5 =	vadd.f32 v6, v5;
	v6 =	vmul.f32 v10, v17;
	[tilespmem:s1+$0x5010] =	vst v11  }
0x6d: {  	v8 =	vadd.f32 v18, v8;
	v9 =	vmul.f32 v14, v17;
	[tilespmem:s1+$0x5040] =	vst v7  }
0x6e: {  	v11 =	vmul.f32 v12, v17;
	[tilespmem:s1+$0x5050] =	vst v6  }
0x6f: {  	v7 =	vmul.f32 v8, v17;
	[tilespmem:s1+$0x5020] =	vst v9  }
0x70: {  	s0 =	sor.u32 $0x20, s0;
	v5 =	vmul.f32 v5, v17;
	[tilespmem:s1+$0x5030] =	vst v11  }
0x71: {  	s0 =	sand.u32 $0x60, s0;
	[tilespmem:s1+$0x5060] =	vst v7  }
0x72: {  	s0 =	sadd.s32 s0, s8;
	[tilespmem:s1+$0x5070] =	vst v5  }
0x73: {  	v6 =	vld [tilespmem:s0+$0x0]  }
0x74: {  	v7 =	vld [tilespmem:s10+$0x30];
	_ =	sdelay $0x4  }
0x75: {  	v5 =	vadd.f32 v7, v6;
	_ =	sdelay $0x1  }
0x76: {  	v8 =	vperm.xlane v5, v0;
	_ =	sdelay $0x1  }
0x77: {  	v5 =	vadd.f32 v8, v5;
	_ =	sdelay $0x1  }
0x78: {  	s16 =	simm.s32 $0x0;
	v8 =	vperm.xlane v5, v1  }
0x79: {  	v9 =	vld [tilespmem:s13+$0x0];
	s0 =	sand.u32 $0xF, s16  }
0x7a: {  	v10 =	vld [tilespmem:s13+$0xFFFFFF90];
	v11 =	vmov s0;
	v5 =	vadd.f32 v8, v5  }
0x7b: {  	v13 =	vld [tilespmem:s13+$0xFFFFFFA0];
	v12 =	vperm.xlane v6, v11  }
0x7c: {  	v14 =	vld [tilespmem:s13+$0xFFFFFFB0];
	v11 =	vperm.xlane v7, v11;
	v8 =	vperm.xlane v5, v2  }
0x7d: {  	p6 =	por $0x1, $0x1  }
0x7e: {  	v16 =	vimm.f32 $0.0e+00;
	v22 =	vld [tilespmem:s13+$0xFFFFFFC0];
	v15 =	vadd.f32 v8, v5;
	v8 =	vpsel p6, v12, v11  }
0x7f: {  	v18 =	vimm.f32 $0.0e+00;
	v17 =	vld [tilespmem:s13+$0xFFFFFFD0];
	v12 =	vimm.f32 $0.0e+00;
	v5 =	vmul.f32 v9, v8  }
0x80: {  	v19 =	vld [tilespmem:s13+$0xFFFFFFE0];
	v11 =	vimm.f32 $0.0e+00;
	v9 =	vmul.f32 v10, v8;
	v23 =	vmul.f32 v13, v8  }
0x81: {  	s8 =	simm.s32 $0x1;
	v21 =	vld [tilespmem:s13+$0xFFFFFFF0];
	s0 =	sadd.s32 $0x80, s13;
	v24 =	vmul.f32 v14, v8;
	v14 =	vimm.f32 $0.0e+00;
	v13 =	vimm.f32 $0.0e+00  }
0x82: {  	s10 =	simm.s32 $0x2;
	s13 =	sand.u32 $0xF, s8;
	v10 =	vld [tilespmem:s0+$0x0];
	v20 =	vperm.xlane v15, v4;
	v5 =	vadd.f32 v5, v12;
	v9 =	vadd.f32 v9, v12  }
.LBB2_7:
0x83: {  	p0 =	sne.s32 s10, $0x1F;
	v25 =	vmov s13;
	v26 =	vld [tilespmem:s0+$0xFFFFFF90];
	v12 =	vadd.f32 v23, v12;
	v22 =	vmul.f32 v22, v8  }
0x84: {  	v23 =	vperm.xlane v6, v25;
	v25 =	vperm.xlane v7, v25;
	v27 =	vld [tilespmem:s0+$0xFFFFFFA0];
	v18 =	vadd.f32 v24, v18  }
0x85: {  	p1 =	slt.u32 s8, $0x10;
	s8 =	smov.u32 s10;
	v28 =	vmul.f32 v17, v8;
	v24 =	vld [tilespmem:s0+$0xFFFFFFB0];
	v16 =	vadd.f32 v22, v16;
	v19 =	vmul.f32 v19, v8  }
.Ltmp2:
0x86: {  	v22 =	vld [tilespmem:s0+$0xFFFFFFC0];
	v21 =	vmul.f32 v21, v8;
	v8 =	vpsel p1, v23, v25;
	(pc) =	sbr.rel @p0 .LBB2_7-.Ltmp2, $4  }
0x87: {  	v14 =	vadd.f32 v28, v14;
	v17 =	vld [tilespmem:s0+$0xFFFFFFD0];
	v10 =	vmul.f32 v10, v8;
	v13 =	vadd.f32 v19, v13  }
0x88: {  	v25 =	vmul.f32 v26, v8;
	v19 =	vld [tilespmem:s0+$0xFFFFFFE0];
	v11 =	vadd.f32 v21, v11  }
0x89: {  	v23 =	vmul.f32 v27, v8;
	v21 =	vld [tilespmem:s0+$0xFFFFFFF0];
	v5 =	vadd.f32 v10, v5;
	s0 =	sadd.s32 $0x80, s0  }
0x8a: {  	s10 =	sadd.s32 $0x1, s10;
	s13 =	sand.u32 $0xF, s8;
	v10 =	vld [tilespmem:s0+$0x0];
	v9 =	vadd.f32 v25, v9;
	v24 =	vmul.f32 v24, v8  }
0x8b: {  	v15 =	vadd.f32 v20, v15;
	_ =	sdelay $0x1  }
0x8c: {  	v15 =	vadd.f32 $9.999999970e-07, v15;
	_ =	sdelay $0x1  }
0x8d: {  	v47 =	vld [tilespmem:s0+$0xFFFFFF90];
	(erf) = vrcp.f32 v15  }
0x8e: {  	v25 =	vld [tilespmem:s0+$0xFFFFFFA0]  }
0x8f: {  	v48 =	vmov s13;
	v49 =	vld [tilespmem:s0+$0xFFFFFFB0]  }
0x90: {  	v50 =	vld [tilespmem:s0+$0xFFFFFFC0];
	v6 =	vperm.xlane v6, v48;
	v7 =	vperm.xlane v7, v48  }
0x91: {  	v12 =	vadd.f32 v23, v12;
	v22 =	vmul.f32 v22, v8;
	p0 =	slt.u32 s8, $0x10;
	v51 =	vld [tilespmem:s0+$0xFFFFFFE0];
	v18 =	vadd.f32 v24, v18  }
0x92: {  	v17 =	vmul.f32 v17, v8;
	v19 =	vmul.f32 v19, v8;
	v6 =	vpsel p0, v6, v7;
	v7 =	vld [tilespmem:s0+$0xFFFFFFD0]  }
0x93: {  	v54 =	vld [tilespmem:s0+$0xFFFFFFF0];
	v16 =	vadd.f32 v22, v16;
	v52 =	vmul.f32 v21, v8;
	v15 =	vmul.f32 v47, v6  }
0x94: {  	v14 =	vadd.f32 v17, v14;
	v13 =	vadd.f32 v19, v13;
	v53 =	vmul.f32 v25, v6  }
0x95: {  	v55 =	vmul.f32 v49, v6;
	v8 =	vadd.f32 v52, v11;
	v9 =	vadd.f32 v15, v9  }
0x96: {  	v57 =	vmul.f32 v50, v6;
	v59 =	vmul.f32 v51, v6;
	v56 =	vadd.f32 v53, v12;
	v58 =	vpop (erf)  }
0x97: {  	v15 =	vadd.f32 v55, v18;
	v7 =	vmul.f32 v7, v6;
	v9 =	vmul.f32 v9, v58  }
0x98: {  	v60 =	vmul.f32 v54, v6;
	v12 =	vadd.f32 v57, v16;
	v11 =	vmul.f32 v56, v58  }
0x99: {  	v6 =	vmul.f32 v10, v6;
	v7 =	vadd.f32 v7, v14;
	v61 =	vmul.f32 v15, v58;
	[tilespmem:s1+$0x5080] =	vst v9  }
0x9a: {  	s31 =	sadd.s32 $0x1, s31;
	v62 =	vadd.f32 v59, v13;
	v63 =	vmul.f32 v12, v58;
	[tilespmem:s1+$0x5090] =	vst v11  }
0x9b: {  	p0 =	sne.s32 s31, $0xA0;
	v5 =	vadd.f32 v6, v5;
	v7 =	vmul.f32 v7, v58;
	[tilespmem:s1+$0x50A0] =	vst v61  }
.Ltmp3:
0x9c: {  	v8 =	vadd.f32 v60, v8;
	v6 =	vmul.f32 v62, v58;
	[tilespmem:s1+$0x50B0] =	vst v63;
	(pc) =	sbr.rel @p0 .LBB2_4-.Ltmp3, $4  }
0x9d: {  	v5 =	vmul.f32 v5, v58;
	[tilespmem:s1+$0x50C0] =	vst v7  }
0x9e: {  	v7 =	vmul.f32 v8, v58;
	[tilespmem:s1+$0x50D0] =	vst v6  }
0x9f: {  	[tilespmem:s1+$0x50F0] =	vst v5  }
0xa0: {  	s30 =	sadd.s32 $0x1, s30;
	[tilespmem:s1+$0x50E0] =	vst v7  }
0xa1: {  	_ =	swait.ge [sflag:s20], $0x2000  }
0xa2: {  	[sflag:s20] =	ssyncset.done $0x0  }
0xa3: {  	[sflag:s20] =	ssyncadd.s32 $0xFFFFE000  }
0xa4: {  	_ =	swait.ge [sflag:s21], $0x40  }
0xa5: {  	[sflag:s21] =	ssyncset.done $0x0  }
0xa6: {  	[sflag:s21] =	ssyncadd.s32 $0xFFFFFFC0  }
0xa7: {  	_ =	swait.ge [sflag:s22], $0x2000  }
0xa8: {  	[sflag:s22] =	ssyncset.done $0x0  }
0xa9: {  	[sflag:s22] =	ssyncadd.s32 $0xFFFFE000  }
0xaa: {  	_ =	swait.ge [sflag:s23], $0x40  }
0xab: {  	[sflag:s23] =	ssyncset.done $0x0  }
0xac: {  	[sflag:s23] =	ssyncadd.s32 $0xFFFFFFC0  }
0xad: {  	_ =	swait.ge [sflag:s24], $0x2000  }
0xae: {  	[sflag:s24] =	ssyncset.done $0x0  }
0xaf: {  	[sflag:s24] =	ssyncadd.s32 $0xFFFFE000  }
0xb0: {  	s28 =	sadd.s32 $0x1, s28;
	_ =	swait.ge [sflag:s25], $0x40  }
0xb1: {  	p0 =	sne.s32 s28, s11;
	[sflag:s25] =	ssyncset.done $0x0  }
.Ltmp4:
0xb2: {  	[sflag:s25] =	ssyncadd.s32 $0xFFFFFFC0;
	(pc) =	sbr.rel @p0 .LBB2_1-.Ltmp4, $4  }
0xb3: {  	[hbm4b:s6+s2] =	stream.linear.scatter [tilespmem:s26], [sflag:$0x9], $0xA000, $0x38;
	[tilespmem:$0x17100] =	vst v63  }
0xb4: {  	_ =	swait.ge [sflag:s7], $0xA000  }
0xb5: {  	[sflag:s7] =	ssyncset.done $0x0  }
0xb6: {  	[sflag:s7] =	ssyncadd.s32 $0xFFFF6000  }
0xb7: {  	_ =	sfence.sel $0x180000  }
0xb8: {  	[bflag:$0x0] =	sbarrier.arrive $0xFFFF  }
0xb9: {  	_ =	strace $0x90000047  }
0xba: {  	s0 =	stileid.u32;
	[bflag:$0x2] =	sbarrier.arrive $0xFFFF  }
0xbb: {  	p0 =	sne.s32 s0, $0x0;
	s0 =	rddreg [dreg:$0x1]  }
0xbc: {  	s0 =	sadd.s32 @!p0 $0x100000, s0  }
0xbd: {  	[sflag:s0] =	ssyncadd.tile.s32 @!p0 $0x1;
	_ =	shalt  }
.Lfunc_end2:
_tile_overlayer_lowered:
.L_overlay_start_2:
0xbe: {  	(tag) =	ssettag $0x2  }
0xbf: {  	s0 =	rddreg [dreg:$0x0];
	s2 =	stileid.u32  }
0xc0: {  	s1 =	rddreg [dreg:$0x1];
	p0 =	sne.s32 s2, $0x0  }
0xc1: {  	s3 =	rddreg [dreg:$0x2];
	[bflag:$0x3] =	sbarrier.arrive $0xFFFF;
	s2 =	simm.s32 @!p0 $0x1C09  }
0xc2: {  	[timem:s3], [sflag:s2] =	dma.local @!p0 [hbm:s0], s1  }
0xc3: {  	s0 =	simm.s32 @!p0 $0x9  }
0xc4: {  	_ =	swait.ge @!p0 [sflag:s0], s1  }
0xc5: {  	s1 =	ssub.s32 @!p0 $0x0, s1;
	[sflag:s0] =	ssyncset.done @!p0 $0x0  }
0xc6: {  	[sflag:s0] =	ssyncadd.s32 @!p0 s1  }
0xc7: {  	[bflag:$0x3] =	sbarrier.arrive $0xFFFF  }
0xc8: {  	_ =	shalt  }

</sc_bundles>
